<compile_context>
chip_gen: v7x
topology: tpu7x:2x2x1
jax: 0.10.2.dev20260603
libtpu: 0.0.44.dev20260713+nightly
codegen_flags: <defaults>
</compile_context>

<pallas_src>
import functools

import jax
import jax.numpy as jnp
from jax import lax
from jax.experimental import pallas as pl
from jax.experimental.pallas import tpu as pltpu
from jax.experimental.pallas import tpu_sc as plsc

D = 768
NC, NS = 2, 16
NW = NC * NS
CHUNK = 32
NBUF = 5


@functools.lru_cache(maxsize=None)
def _build(B):
    rows_per_w = B // NW
    n_chunks = rows_per_w // CHUNK
    assert n_chunks % NBUF == 0
    mesh = plsc.VectorSubcoreMesh(core_axis_name="c", subcore_axis_name="s")

    @functools.partial(
        pl.kernel,
        mesh=mesh,
        out_type=jax.ShapeDtypeStruct((B, D), jnp.float32),
        scratch_types=[
            pltpu.VMEM((n_chunks, CHUNK), jnp.int32),
            pltpu.VMEM((NBUF, CHUNK, D), jnp.float32),
            pltpu.SemaphoreType.DMA((NBUF,)),
            pltpu.SemaphoreType.DMA((NBUF,)),
        ],
    )
    def gather_kernel(table_hbm, idx_hbm, out_hbm, idx_v, bufs, gsem, osem):
        wid = lax.axis_index("s") * NC + lax.axis_index("c")
        base = wid * rows_per_w
        pltpu.sync_copy(idx_hbm.at[wid], idx_v)

        def start_gather(j, b):
            pltpu.async_copy(table_hbm.at[idx_v.at[j]], bufs.at[b], gsem.at[b])

        def wait_gather(b):
            pltpu.make_async_copy(
                out_hbm.at[pl.ds(0, CHUNK)], bufs.at[b], gsem.at[b]
            ).wait()

        def start_write(j, b):
            pltpu.async_copy(
                bufs.at[b], out_hbm.at[pl.ds(base + j * CHUNK, CHUNK)], osem.at[b]
            )

        def wait_write(b):
            pltpu.make_async_copy(
                bufs.at[b], out_hbm.at[pl.ds(0, CHUNK)], osem.at[b]
            ).wait()

        for b in range(NBUF):
            start_gather(b, b)

        AHEAD = NBUF - 2

        def ring(p, carry):
            for b in range(NBUF):
                j = p * NBUF + b
                wait_gather(b)
                start_write(j, b)
                b2 = (b + AHEAD) % NBUF

                @pl.when((j >= 2) & (j + AHEAD < n_chunks))
                def _():
                    wait_write(b2)
                    start_gather(j + AHEAD, b2)

            return carry

        lax.fori_loop(0, n_chunks // NBUF, ring, 0)
        for b in range(NBUF):
            wait_write(b)

    return gather_kernel


def kernel(tokens, table):
    BT, T = tokens.shape
    B = BT * T
    idx = tokens.T.astype(jnp.int32).reshape(NW, B // (NW * CHUNK), CHUNK)
    out = _build(B)(table, idx)
    return out.reshape(T, BT, D).transpose(1, 0, 2)

# --- scband reference (transcript-rebuilt; emitter-appended) ---
"""Pipeline reference for scband-bert-embeddings-73521250173438 (READ-ONLY COPY).

The authoritative reference and input builder live on the scoring server;
editing this copy changes nothing except your own understanding.
"""

import jax, jax.numpy as jnp
import numpy as np

VOCAB = 30522
HIDDEN = 768

def setup_inputs(seed: int = 0) -> dict:
    key = jax.random.key(seed)
    k_tok, k_tab = jax.random.split(key)
    tokens = jax.random.randint(k_tok, (1024, 50), 0, VOCAB, dtype=jnp.int64 if jax.config.jax_enable_x64 else jnp.int32)
    table = jax.random.normal(k_tab, (VOCAB, HIDDEN), dtype=jnp.float32) * 0.02
    return {"tokens": tokens, "table": table}

def reference(tokens, table):
    # BertEmbeddings.forward: embedding lookup into BERT word-embedding table
    embeddings = jnp.take(table, tokens, axis=0)
    return embeddings

if __name__ == "__main__":
    import jax
    _d = setup_inputs()
    print(jax.jit(kernel)(*tuple(_d.values())))

</pallas_src>

<mosaic_0001>
#map = affine_map<(d0, d1) -> (0, 0)>
#map1 = affine_map<(d0, d1) -> (0, 0, 0)>
module attributes {stable_mosaic.version = 14 : i64} {
  func.func @gather_kernel(%arg0: i32, %arg1: i32, %arg2: memref<30522x768xf32, #tpu.memory_space<hbm>>, %arg3: memref<32x50x32xi32, #tpu.memory_space<hbm>>, %arg4: memref<51200x768xf32, #tpu.memory_space<hbm>>, %arg5: memref<50x32xi32, #tpu.memory_space<vmem>>, %arg6: memref<5x32x768xf32, #tpu.memory_space<vmem>>, %arg7: memref<5x!tpu.dma_semaphore, #tpu.memory_space<semaphore_mem>>, %arg8: memref<5x!tpu.dma_semaphore, #tpu.memory_space<semaphore_mem>>) attributes {dimension_semantics = [#tpu.dimension_semantics<core_parallel>, #tpu.dimension_semantics<subcore_parallel>], iteration_bounds = array<i64: 2, 16>, scalar_prefetch = 0 : i64, scratch_operands = 4 : i64, tpu.core_type = #tpu.core_type<sc_vector_subcore>, window_params = [{transform_indices = #map}, {transform_indices = #map1}, {transform_indices = #map}]} {
    %mul3A = arith.constant 2 : i32
    %mul3A_0 = arith.muli %arg1, %mul3A : i32
    %add3A = arith.addi %mul3A_0, %arg0 : i32
    %mul3A_1 = arith.constant 1600 : i32
    %mul3A_2 = arith.muli %add3A, %mul3A_1 : i32
    "tpu.region"() ({
      %run_scoped3A = tpu.sem_alloc : memref<!tpu.dma_semaphore, #tpu.memory_space<semaphore_mem>>
      %dma_start3A_171 = arith.constant 0 : i32
      %dma_start3A_172 = arith.constant 0 : i32
      %dma_start3A_173 = tpu.memref_slice %arg3[%add3A, %dma_start3A_171, %dma_start3A_172] : memref<32x50x32xi32, #tpu.memory_space<hbm>> -> memref<1x50x32xi32, #tpu.memory_space<hbm>>
      %dma_start3A_174 = tpu.memref_squeeze %dma_start3A_173 : memref<1x50x32xi32, #tpu.memory_space<hbm>> -> memref<50x32xi32, #tpu.memory_space<hbm>>
      %dma_start3A_175 = arith.constant 0 : i32
      %dma_start3A_176 = arith.constant 0 : i32
      %dma_start3A_177 = tpu.memref_slice %arg3[%add3A, %dma_start3A_175, %dma_start3A_176] : memref<32x50x32xi32, #tpu.memory_space<hbm>> -> memref<1x50x32xi32, #tpu.memory_space<hbm>>
      %dma_start3A_178 = tpu.memref_squeeze %dma_start3A_177 : memref<1x50x32xi32, #tpu.memory_space<hbm>> -> memref<50x32xi32, #tpu.memory_space<hbm>>
      tpu.enqueue_dma source(%dma_start3A_178 : memref<50x32xi32, #tpu.memory_space<hbm>>) target(%arg5 : memref<50x32xi32, #tpu.memory_space<vmem>>) target_semaphore(%run_scoped3A : memref<!tpu.dma_semaphore, #tpu.memory_space<semaphore_mem>>)
      %dma_wait3A_179 = arith.constant 0 : i32
      %dma_wait3A_180 = arith.constant 0 : i32
      %dma_wait3A_181 = tpu.memref_slice %arg3[%add3A, %dma_wait3A_179, %dma_wait3A_180] : memref<32x50x32xi32, #tpu.memory_space<hbm>> -> memref<1x50x32xi32, #tpu.memory_space<hbm>>
      %dma_wait3A_182 = tpu.memref_squeeze %dma_wait3A_181 : memref<1x50x32xi32, #tpu.memory_space<hbm>> -> memref<50x32xi32, #tpu.memory_space<hbm>>
      %dma_wait3A_183 = arith.constant 0 : i32
      %dma_wait3A_184 = arith.constant 0 : i32
      %dma_wait3A_185 = tpu.memref_slice %arg3[%add3A, %dma_wait3A_183, %dma_wait3A_184] : memref<32x50x32xi32, #tpu.memory_space<hbm>> -> memref<1x50x32xi32, #tpu.memory_space<hbm>>
      %dma_wait3A_186 = tpu.memref_squeeze %dma_wait3A_185 : memref<1x50x32xi32, #tpu.memory_space<hbm>> -> memref<50x32xi32, #tpu.memory_space<hbm>>
      tpu.wait_dma2 semaphore(%run_scoped3A : memref<!tpu.dma_semaphore, #tpu.memory_space<semaphore_mem>>) src(%dma_wait3A_186 : memref<50x32xi32, #tpu.memory_space<hbm>>) dst(%arg5 : memref<50x32xi32, #tpu.memory_space<vmem>>)
      tpu.yield
    }) : () -> ()
    %dma_start3A = arith.constant 0 : i32
    %dma_start3A_3 = arith.constant 0 : i32
    %dma_start3A_4 = arith.constant 0 : i32
    %dma_start3A_5 = arith.constant 0 : i32
    %dma_start3A_6 = arith.constant 0 : i32
    %dma_start3A_7 = tpu.memref_slice %arg6[%dma_start3A_3, %dma_start3A_5, %dma_start3A_6] : memref<5x32x768xf32, #tpu.memory_space<vmem>> -> memref<1x32x768xf32, #tpu.memory_space<vmem>>
    %dma_start3A_8 = tpu.memref_squeeze %dma_start3A_7 : memref<1x32x768xf32, #tpu.memory_space<vmem>> -> memref<32x768xf32, #tpu.memory_space<vmem>>
    %dma_start3A_9 = arith.constant 0 : i32
    %dma_start3A_10 = tpu.memref_slice %arg5[%dma_start3A, %dma_start3A_9] : memref<50x32xi32, #tpu.memory_space<vmem>> -> memref<1x32xi32, #tpu.memory_space<vmem>>
    %dma_start3A_11 = tpu.memref_squeeze %dma_start3A_10 : memref<1x32xi32, #tpu.memory_space<vmem>> -> memref<32xi32, #tpu.memory_space<vmem>>
    %dma_start3A_12 = arith.constant 0 : i32
    %dma_start3A_13 = arith.constant 0 : i32
    %dma_start3A_14 = tpu.memref_slice %arg2[%dma_start3A_12, %dma_start3A_13] : memref<30522x768xf32, #tpu.memory_space<hbm>> -> memref<30522x768xf32, #tpu.memory_space<hbm>>
    %dma_start3A_15 = tpu.memref_slice %arg7[%dma_start3A_4] : memref<5x!tpu.dma_semaphore, #tpu.memory_space<semaphore_mem>> -> memref<1x!tpu.dma_semaphore, #tpu.memory_space<semaphore_mem>>
    %dma_start3A_16 = tpu.memref_squeeze %dma_start3A_15 : memref<1x!tpu.dma_semaphore, #tpu.memory_space<semaphore_mem>> -> memref<!tpu.dma_semaphore, #tpu.memory_space<semaphore_mem>>
    tpu.enqueue_indirect_dma source(%dma_start3A_14 : memref<30522x768xf32, #tpu.memory_space<hbm>>) target(%dma_start3A_8 : memref<32x768xf32, #tpu.memory_space<vmem>>) offsets(%dma_start3A_11 : memref<32xi32, #tpu.memory_space<vmem>>) semaphore(%dma_start3A_16 : memref<!tpu.dma_semaphore, #tpu.memory_space<semaphore_mem>>)
    %dma_start3A_17 = arith.constant 1 : i32
    %dma_start3A_18 = arith.constant 1 : i32
    %dma_start3A_19 = arith.constant 1 : i32
    %dma_start3A_20 = arith.constant 0 : i32
    %dma_start3A_21 = arith.constant 0 : i32
    %dma_start3A_22 = tpu.memref_slice %arg6[%dma_start3A_18, %dma_start3A_20, %dma_start3A_21] : memref<5x32x768xf32, #tpu.memory_space<vmem>> -> memref<1x32x768xf32, #tpu.memory_space<vmem>>
    %dma_start3A_23 = tpu.memref_squeeze %dma_start3A_22 : memref<1x32x768xf32, #tpu.memory_space<vmem>> -> memref<32x768xf32, #tpu.memory_space<vmem>>
    %dma_start3A_24 = arith.constant 0 : i32
    %dma_start3A_25 = tpu.memref_slice %arg5[%dma_start3A_17, %dma_start3A_24] : memref<50x32xi32, #tpu.memory_space<vmem>> -> memref<1x32xi32, #tpu.memory_space<vmem>>
    %dma_start3A_26 = tpu.memref_squeeze %dma_start3A_25 : memref<1x32xi32, #tpu.memory_space<vmem>> -> memref<32xi32, #tpu.memory_space<vmem>>
    %dma_start3A_27 = arith.constant 0 : i32
    %dma_start3A_28 = arith.constant 0 : i32
    %dma_start3A_29 = tpu.memref_slice %arg2[%dma_start3A_27, %dma_start3A_28] : memref<30522x768xf32, #tpu.memory_space<hbm>> -> memref<30522x768xf32, #tpu.memory_space<hbm>>
    %dma_start3A_30 = tpu.memref_slice %arg7[%dma_start3A_19] : memref<5x!tpu.dma_semaphore, #tpu.memory_space<semaphore_mem>> -> memref<1x!tpu.dma_semaphore, #tpu.memory_space<semaphore_mem>>
    %dma_start3A_31 = tpu.memref_squeeze %dma_start3A_30 : memref<1x!tpu.dma_semaphore, #tpu.memory_space<semaphore_mem>> -> memref<!tpu.dma_semaphore, #tpu.memory_space<semaphore_mem>>
    tpu.enqueue_indirect_dma source(%dma_start3A_29 : memref<30522x768xf32, #tpu.memory_space<hbm>>) target(%dma_start3A_23 : memref<32x768xf32, #tpu.memory_space<vmem>>) offsets(%dma_start3A_26 : memref<32xi32, #tpu.memory_space<vmem>>) semaphore(%dma_start3A_31 : memref<!tpu.dma_semaphore, #tpu.memory_space<semaphore_mem>>)
    %dma_start3A_32 = arith.constant 2 : i32
    %dma_start3A_33 = arith.constant 2 : i32
    %dma_start3A_34 = arith.constant 2 : i32
    %dma_start3A_35 = arith.constant 0 : i32
    %dma_start3A_36 = arith.constant 0 : i32
    %dma_start3A_37 = tpu.memref_slice %arg6[%dma_start3A_33, %dma_start3A_35, %dma_start3A_36] : memref<5x32x768xf32, #tpu.memory_space<vmem>> -> memref<1x32x768xf32, #tpu.memory_space<vmem>>
    %dma_start3A_38 = tpu.memref_squeeze %dma_start3A_37 : memref<1x32x768xf32, #tpu.memory_space<vmem>> -> memref<32x768xf32, #tpu.memory_space<vmem>>
    %dma_start3A_39 = arith.constant 0 : i32
    %dma_start3A_40 = tpu.memref_slice %arg5[%dma_start3A_32, %dma_start3A_39] : memref<50x32xi32, #tpu.memory_space<vmem>> -> memref<1x32xi32, #tpu.memory_space<vmem>>
    %dma_start3A_41 = tpu.memref_squeeze %dma_start3A_40 : memref<1x32xi32, #tpu.memory_space<vmem>> -> memref<32xi32, #tpu.memory_space<vmem>>
    %dma_start3A_42 = arith.constant 0 : i32
    %dma_start3A_43 = arith.constant 0 : i32
    %dma_start3A_44 = tpu.memref_slice %arg2[%dma_start3A_42, %dma_start3A_43] : memref<30522x768xf32, #tpu.memory_space<hbm>> -> memref<30522x768xf32, #tpu.memory_space<hbm>>
    %dma_start3A_45 = tpu.memref_slice %arg7[%dma_start3A_34] : memref<5x!tpu.dma_semaphore, #tpu.memory_space<semaphore_mem>> -> memref<1x!tpu.dma_semaphore, #tpu.memory_space<semaphore_mem>>
    %dma_start3A_46 = tpu.memref_squeeze %dma_start3A_45 : memref<1x!tpu.dma_semaphore, #tpu.memory_space<semaphore_mem>> -> memref<!tpu.dma_semaphore, #tpu.memory_space<semaphore_mem>>
    tpu.enqueue_indirect_dma source(%dma_start3A_44 : memref<30522x768xf32, #tpu.memory_space<hbm>>) target(%dma_start3A_38 : memref<32x768xf32, #tpu.memory_space<vmem>>) offsets(%dma_start3A_41 : memref<32xi32, #tpu.memory_space<vmem>>) semaphore(%dma_start3A_46 : memref<!tpu.dma_semaphore, #tpu.memory_space<semaphore_mem>>)
    %dma_start3A_47 = arith.constant 3 : i32
    %dma_start3A_48 = arith.constant 3 : i32
    %dma_start3A_49 = arith.constant 3 : i32
    %dma_start3A_50 = arith.constant 0 : i32
    %dma_start3A_51 = arith.constant 0 : i32
    %dma_start3A_52 = tpu.memref_slice %arg6[%dma_start3A_48, %dma_start3A_50, %dma_start3A_51] : memref<5x32x768xf32, #tpu.memory_space<vmem>> -> memref<1x32x768xf32, #tpu.memory_space<vmem>>
    %dma_start3A_53 = tpu.memref_squeeze %dma_start3A_52 : memref<1x32x768xf32, #tpu.memory_space<vmem>> -> memref<32x768xf32, #tpu.memory_space<vmem>>
    %dma_start3A_54 = arith.constant 0 : i32
    %dma_start3A_55 = tpu.memref_slice %arg5[%dma_start3A_47, %dma_start3A_54] : memref<50x32xi32, #tpu.memory_space<vmem>> -> memref<1x32xi32, #tpu.memory_space<vmem>>
    %dma_start3A_56 = tpu.memref_squeeze %dma_start3A_55 : memref<1x32xi32, #tpu.memory_space<vmem>> -> memref<32xi32, #tpu.memory_space<vmem>>
    %dma_start3A_57 = arith.constant 0 : i32
    %dma_start3A_58 = arith.constant 0 : i32
    %dma_start3A_59 = tpu.memref_slice %arg2[%dma_start3A_57, %dma_start3A_58] : memref<30522x768xf32, #tpu.memory_space<hbm>> -> memref<30522x768xf32, #tpu.memory_space<hbm>>
    %dma_start3A_60 = tpu.memref_slice %arg7[%dma_start3A_49] : memref<5x!tpu.dma_semaphore, #tpu.memory_space<semaphore_mem>> -> memref<1x!tpu.dma_semaphore, #tpu.memory_space<semaphore_mem>>
    %dma_start3A_61 = tpu.memref_squeeze %dma_start3A_60 : memref<1x!tpu.dma_semaphore, #tpu.memory_space<semaphore_mem>> -> memref<!tpu.dma_semaphore, #tpu.memory_space<semaphore_mem>>
    tpu.enqueue_indirect_dma source(%dma_start3A_59 : memref<30522x768xf32, #tpu.memory_space<hbm>>) target(%dma_start3A_53 : memref<32x768xf32, #tpu.memory_space<vmem>>) offsets(%dma_start3A_56 : memref<32xi32, #tpu.memory_space<vmem>>) semaphore(%dma_start3A_61 : memref<!tpu.dma_semaphore, #tpu.memory_space<semaphore_mem>>)
    %dma_start3A_62 = arith.constant 4 : i32
    %dma_start3A_63 = arith.constant 4 : i32
    %dma_start3A_64 = arith.constant 4 : i32
    %dma_start3A_65 = arith.constant 0 : i32
    %dma_start3A_66 = arith.constant 0 : i32
    %dma_start3A_67 = tpu.memref_slice %arg6[%dma_start3A_63, %dma_start3A_65, %dma_start3A_66] : memref<5x32x768xf32, #tpu.memory_space<vmem>> -> memref<1x32x768xf32, #tpu.memory_space<vmem>>
    %dma_start3A_68 = tpu.memref_squeeze %dma_start3A_67 : memref<1x32x768xf32, #tpu.memory_space<vmem>> -> memref<32x768xf32, #tpu.memory_space<vmem>>
    %dma_start3A_69 = arith.constant 0 : i32
    %dma_start3A_70 = tpu.memref_slice %arg5[%dma_start3A_62, %dma_start3A_69] : memref<50x32xi32, #tpu.memory_space<vmem>> -> memref<1x32xi32, #tpu.memory_space<vmem>>
    %dma_start3A_71 = tpu.memref_squeeze %dma_start3A_70 : memref<1x32xi32, #tpu.memory_space<vmem>> -> memref<32xi32, #tpu.memory_space<vmem>>
    %dma_start3A_72 = arith.constant 0 : i32
    %dma_start3A_73 = arith.constant 0 : i32
    %dma_start3A_74 = tpu.memref_slice %arg2[%dma_start3A_72, %dma_start3A_73] : memref<30522x768xf32, #tpu.memory_space<hbm>> -> memref<30522x768xf32, #tpu.memory_space<hbm>>
    %dma_start3A_75 = tpu.memref_slice %arg7[%dma_start3A_64] : memref<5x!tpu.dma_semaphore, #tpu.memory_space<semaphore_mem>> -> memref<1x!tpu.dma_semaphore, #tpu.memory_space<semaphore_mem>>
    %dma_start3A_76 = tpu.memref_squeeze %dma_start3A_75 : memref<1x!tpu.dma_semaphore, #tpu.memory_space<semaphore_mem>> -> memref<!tpu.dma_semaphore, #tpu.memory_space<semaphore_mem>>
    tpu.enqueue_indirect_dma source(%dma_start3A_74 : memref<30522x768xf32, #tpu.memory_space<hbm>>) target(%dma_start3A_68 : memref<32x768xf32, #tpu.memory_space<vmem>>) offsets(%dma_start3A_71 : memref<32xi32, #tpu.memory_space<vmem>>) semaphore(%dma_start3A_76 : memref<!tpu.dma_semaphore, #tpu.memory_space<semaphore_mem>>)
    %scan3A = arith.constant 0 : i32
    %scan3A_77 = arith.constant 0 : i32
    %scan3A_78 = arith.constant 10 : i32
    %scan3A_79 = arith.addi %scan3A_77, %scan3A_78 : i32
    %scan3A_80 = arith.constant 1 : i32
    scf.for %scan3A_171 = %scan3A_77 to %scan3A_79 step %scan3A_80  : i32 {
      %mul3A_172 = arith.constant 5 : i32
      %mul3A_173 = arith.muli %scan3A_171, %mul3A_172 : i32
      %add3A_174 = arith.constant 0 : i32
      %add3A_175 = arith.addi %mul3A_173, %add3A_174 : i32
      %dma_wait3A_176 = arith.constant 0 : i32
      %dma_wait3A_177 = arith.constant 0 : i32
      %dma_wait3A_178 = arith.constant 0 : i32
      %dma_wait3A_179 = arith.constant 0 : i32
      %dma_wait3A_180 = tpu.memref_slice %arg6[%dma_wait3A_176, %dma_wait3A_178, %dma_wait3A_179] : memref<5x32x768xf32, #tpu.memory_space<vmem>> -> memref<1x32x768xf32, #tpu.memory_space<vmem>>
      %dma_wait3A_181 = tpu.memref_squeeze %dma_wait3A_180 : memref<1x32x768xf32, #tpu.memory_space<vmem>> -> memref<32x768xf32, #tpu.memory_space<vmem>>
      %dma_wait3A_182 = arith.constant 0 : i32
      %dma_wait3A_183 = arith.constant 0 : i32
      %dma_wait3A_184 = tpu.memref_slice %arg4[%dma_wait3A_182, %dma_wait3A_183] : memref<51200x768xf32, #tpu.memory_space<hbm>> -> memref<32x768xf32, #tpu.memory_space<hbm>>
      %dma_wait3A_185 = tpu.memref_slice %arg7[%dma_wait3A_177] : memref<5x!tpu.dma_semaphore, #tpu.memory_space<semaphore_mem>> -> memref<1x!tpu.dma_semaphore, #tpu.memory_space<semaphore_mem>>
      %dma_wait3A_186 = tpu.memref_squeeze %dma_wait3A_185 : memref<1x!tpu.dma_semaphore, #tpu.memory_space<semaphore_mem>> -> memref<!tpu.dma_semaphore, #tpu.memory_space<semaphore_mem>>
      %dma_wait3A_187 = arith.constant 0 : i32
      %dma_wait3A_188 = arith.constant 0 : i32
      %dma_wait3A_189 = tpu.memref_slice %arg6[%dma_wait3A_176, %dma_wait3A_187, %dma_wait3A_188] : memref<5x32x768xf32, #tpu.memory_space<vmem>> -> memref<1x32x768xf32, #tpu.memory_space<vmem>>
      %dma_wait3A_190 = tpu.memref_squeeze %dma_wait3A_189 : memref<1x32x768xf32, #tpu.memory_space<vmem>> -> memref<32x768xf32, #tpu.memory_space<vmem>>
      %dma_wait3A_191 = arith.constant 0 : i32
      %dma_wait3A_192 = arith.constant 0 : i32
      %dma_wait3A_193 = tpu.memref_slice %arg4[%dma_wait3A_191, %dma_wait3A_192] : memref<51200x768xf32, #tpu.memory_space<hbm>> -> memref<32x768xf32, #tpu.memory_space<hbm>>
      tpu.wait_dma2 semaphore(%dma_wait3A_186 : memref<!tpu.dma_semaphore, #tpu.memory_space<semaphore_mem>>) src(%dma_wait3A_193 : memref<32x768xf32, #tpu.memory_space<hbm>>) dst(%dma_wait3A_190 : memref<32x768xf32, #tpu.memory_space<vmem>>)
      %mul3A_194 = arith.constant 32 : i32
      %mul3A_195 = arith.muli %add3A_175, %mul3A_194 : i32
      %add3A_196 = arith.addi %mul3A_2, %mul3A_195 : i32
      %dma_start3A_197 = arith.constant 0 : i32
      %dma_start3A_198 = arith.constant 0 : i32
      %dma_start3A_199 = arith.constant 0 : i32
      %dma_start3A_200 = arith.constant 0 : i32
      %dma_start3A_201 = tpu.memref_slice %arg6[%dma_start3A_197, %dma_start3A_199, %dma_start3A_200] : memref<5x32x768xf32, #tpu.memory_space<vmem>> -> memref<1x32x768xf32, #tpu.memory_space<vmem>>
      %dma_start3A_202 = tpu.memref_squeeze %dma_start3A_201 : memref<1x32x768xf32, #tpu.memory_space<vmem>> -> memref<32x768xf32, #tpu.memory_space<vmem>>
      %dma_start3A_203 = arith.constant 0 : i32
      %dma_start3A_204 = tpu.memref_slice %arg4[%add3A_196, %dma_start3A_203] : memref<51200x768xf32, #tpu.memory_space<hbm>> -> memref<32x768xf32, #tpu.memory_space<hbm>>
      %dma_start3A_205 = tpu.memref_slice %arg8[%dma_start3A_198] : memref<5x!tpu.dma_semaphore, #tpu.memory_space<semaphore_mem>> -> memref<1x!tpu.dma_semaphore, #tpu.memory_space<semaphore_mem>>
      %dma_start3A_206 = tpu.memref_squeeze %dma_start3A_205 : memref<1x!tpu.dma_semaphore, #tpu.memory_space<semaphore_mem>> -> memref<!tpu.dma_semaphore, #tpu.memory_space<semaphore_mem>>
      %dma_start3A_207 = arith.constant 0 : i32
      %dma_start3A_208 = tpu.memref_slice %arg4[%add3A_196, %dma_start3A_207] : memref<51200x768xf32, #tpu.memory_space<hbm>> -> memref<32x768xf32, #tpu.memory_space<hbm>>
      %dma_start3A_209 = arith.constant 0 : i32
      %dma_start3A_210 = arith.constant 0 : i32
      %dma_start3A_211 = tpu.memref_slice %arg6[%dma_start3A_197, %dma_start3A_209, %dma_start3A_210] : memref<5x32x768xf32, #tpu.memory_space<vmem>> -> memref<1x32x768xf32, #tpu.memory_space<vmem>>
      %dma_start3A_212 = tpu.memref_squeeze %dma_start3A_211 : memref<1x32x768xf32, #tpu.memory_space<vmem>> -> memref<32x768xf32, #tpu.memory_space<vmem>>
      tpu.enqueue_dma source(%dma_start3A_212 : memref<32x768xf32, #tpu.memory_space<vmem>>) target(%dma_start3A_208 : memref<32x768xf32, #tpu.memory_space<hbm>>) target_semaphore(%dma_start3A_206 : memref<!tpu.dma_semaphore, #tpu.memory_space<semaphore_mem>>)
      %ge3A = arith.constant 2 : i32
      %ge3A_213 = arith.cmpi sge, %add3A_175, %ge3A : i32
      %add3A_214 = arith.constant 3 : i32
      %add3A_215 = arith.addi %add3A_175, %add3A_214 : i32
      %lt3A = arith.constant 50 : i32
      %lt3A_216 = arith.cmpi slt, %add3A_215, %lt3A : i32
      %and3A = arith.andi %ge3A_213, %lt3A_216 : i1
      %convert_element_type3A = arith.extui %and3A : i1 to i32
      %cond3A = arith.constant 0 : i32
      %cond3A_217 = arith.cmpi ne, %convert_element_type3A, %cond3A : i32
      scf.if %cond3A_217 {
        %dma_wait3A_422 = arith.constant 3 : i32
        %dma_wait3A_423 = arith.constant 3 : i32
        %dma_wait3A_424 = arith.constant 0 : i32
        %dma_wait3A_425 = arith.constant 0 : i32
        %dma_wait3A_426 = tpu.memref_slice %arg6[%dma_wait3A_422, %dma_wait3A_424, %dma_wait3A_425] : memref<5x32x768xf32, #tpu.memory_space<vmem>> -> memref<1x32x768xf32, #tpu.memory_space<vmem>>
        %dma_wait3A_427 = tpu.memref_squeeze %dma_wait3A_426 : memref<1x32x768xf32, #tpu.memory_space<vmem>> -> memref<32x768xf32, #tpu.memory_space<vmem>>
        %dma_wait3A_428 = arith.constant 0 : i32
        %dma_wait3A_429 = arith.constant 0 : i32
        %dma_wait3A_430 = tpu.memref_slice %arg4[%dma_wait3A_428, %dma_wait3A_429] : memref<51200x768xf32, #tpu.memory_space<hbm>> -> memref<32x768xf32, #tpu.memory_space<hbm>>
        %dma_wait3A_431 = tpu.memref_slice %arg8[%dma_wait3A_423] : memref<5x!tpu.dma_semaphore, #tpu.memory_space<semaphore_mem>> -> memref<1x!tpu.dma_semaphore, #tpu.memory_space<semaphore_mem>>
        %dma_wait3A_432 = tpu.memref_squeeze %dma_wait3A_431 : memref<1x!tpu.dma_semaphore, #tpu.memory_space<semaphore_mem>> -> memref<!tpu.dma_semaphore, #tpu.memory_space<semaphore_mem>>
        %dma_wait3A_433 = arith.constant 0 : i32
        %dma_wait3A_434 = arith.constant 0 : i32
        %dma_wait3A_435 = tpu.memref_slice %arg4[%dma_wait3A_433, %dma_wait3A_434] : memref<51200x768xf32, #tpu.memory_space<hbm>> -> memref<32x768xf32, #tpu.memory_space<hbm>>
        %dma_wait3A_436 = arith.constant 0 : i32
        %dma_wait3A_437 = arith.constant 0 : i32
        %dma_wait3A_438 = tpu.memref_slice %arg6[%dma_wait3A_422, %dma_wait3A_436, %dma_wait3A_437] : memref<5x32x768xf32, #tpu.memory_space<vmem>> -> memref<1x32x768xf32, #tpu.memory_space<vmem>>
        %dma_wait3A_439 = tpu.memref_squeeze %dma_wait3A_438 : memref<1x32x768xf32, #tpu.memory_space<vmem>> -> memref<32x768xf32, #tpu.memory_space<vmem>>
        tpu.wait_dma2 semaphore(%dma_wait3A_432 : memref<!tpu.dma_semaphore, #tpu.memory_space<semaphore_mem>>) src(%dma_wait3A_439 : memref<32x768xf32, #tpu.memory_space<vmem>>) dst(%dma_wait3A_435 : memref<32x768xf32, #tpu.memory_space<hbm>>)
        %add3A_440 = arith.constant 3 : i32
        %add3A_441 = arith.addi %add3A_175, %add3A_440 : i32
        %dma_start3A_442 = arith.constant 3 : i32
        %dma_start3A_443 = arith.constant 3 : i32
        %dma_start3A_444 = arith.constant 0 : i32
        %dma_start3A_445 = arith.constant 0 : i32
        %dma_start3A_446 = tpu.memref_slice %arg6[%dma_start3A_442, %dma_start3A_444, %dma_start3A_445] : memref<5x32x768xf32, #tpu.memory_space<vmem>> -> memref<1x32x768xf32, #tpu.memory_space<vmem>>
        %dma_start3A_447 = tpu.memref_squeeze %dma_start3A_446 : memref<1x32x768xf32, #tpu.memory_space<vmem>> -> memref<32x768xf32, #tpu.memory_space<vmem>>
        %dma_start3A_448 = arith.constant 0 : i32
        %dma_start3A_449 = tpu.memref_slice %arg5[%add3A_441, %dma_start3A_448] : memref<50x32xi32, #tpu.memory_space<vmem>> -> memref<1x32xi32, #tpu.memory_space<vmem>>
        %dma_start3A_450 = tpu.memref_squeeze %dma_start3A_449 : memref<1x32xi32, #tpu.memory_space<vmem>> -> memref<32xi32, #tpu.memory_space<vmem>>
        %dma_start3A_451 = arith.constant 0 : i32
        %dma_start3A_452 = arith.constant 0 : i32
        %dma_start3A_453 = tpu.memref_slice %arg2[%dma_start3A_451, %dma_start3A_452] : memref<30522x768xf32, #tpu.memory_space<hbm>> -> memref<30522x768xf32, #tpu.memory_space<hbm>>
        %dma_start3A_454 = tpu.memref_slice %arg7[%dma_start3A_443] : memref<5x!tpu.dma_semaphore, #tpu.memory_space<semaphore_mem>> -> memref<1x!tpu.dma_semaphore, #tpu.memory_space<semaphore_mem>>
        %dma_start3A_455 = tpu.memref_squeeze %dma_start3A_454 : memref<1x!tpu.dma_semaphore, #tpu.memory_space<semaphore_mem>> -> memref<!tpu.dma_semaphore, #tpu.memory_space<semaphore_mem>>
        tpu.enqueue_indirect_dma source(%dma_start3A_453 : memref<30522x768xf32, #tpu.memory_space<hbm>>) target(%dma_start3A_447 : memref<32x768xf32, #tpu.memory_space<vmem>>) offsets(%dma_start3A_450 : memref<32xi32, #tpu.memory_space<vmem>>) semaphore(%dma_start3A_455 : memref<!tpu.dma_semaphore, #tpu.memory_space<semaphore_mem>>)
      } else {
      }
      %mul3A_218 = arith.constant 5 : i32
      %mul3A_219 = arith.muli %scan3A_171, %mul3A_218 : i32
      %add3A_220 = arith.constant 1 : i32
      %add3A_221 = arith.addi %mul3A_219, %add3A_220 : i32
      %dma_wait3A_222 = arith.constant 1 : i32
      %dma_wait3A_223 = arith.constant 1 : i32
      %dma_wait3A_224 = arith.constant 0 : i32
      %dma_wait3A_225 = arith.constant 0 : i32
      %dma_wait3A_226 = tpu.memref_slice %arg6[%dma_wait3A_222, %dma_wait3A_224, %dma_wait3A_225] : memref<5x32x768xf32, #tpu.memory_space<vmem>> -> memref<1x32x768xf32, #tpu.memory_space<vmem>>
      %dma_wait3A_227 = tpu.memref_squeeze %dma_wait3A_226 : memref<1x32x768xf32, #tpu.memory_space<vmem>> -> memref<32x768xf32, #tpu.memory_space<vmem>>
      %dma_wait3A_228 = arith.constant 0 : i32
      %dma_wait3A_229 = arith.constant 0 : i32
      %dma_wait3A_230 = tpu.memref_slice %arg4[%dma_wait3A_228, %dma_wait3A_229] : memref<51200x768xf32, #tpu.memory_space<hbm>> -> memref<32x768xf32, #tpu.memory_space<hbm>>
      %dma_wait3A_231 = tpu.memref_slice %arg7[%dma_wait3A_223] : memref<5x!tpu.dma_semaphore, #tpu.memory_space<semaphore_mem>> -> memref<1x!tpu.dma_semaphore, #tpu.memory_space<semaphore_mem>>
      %dma_wait3A_232 = tpu.memref_squeeze %dma_wait3A_231 : memref<1x!tpu.dma_semaphore, #tpu.memory_space<semaphore_mem>> -> memref<!tpu.dma_semaphore, #tpu.memory_space<semaphore_mem>>
      %dma_wait3A_233 = arith.constant 0 : i32
      %dma_wait3A_234 = arith.constant 0 : i32
      %dma_wait3A_235 = tpu.memref_slice %arg6[%dma_wait3A_222, %dma_wait3A_233, %dma_wait3A_234] : memref<5x32x768xf32, #tpu.memory_space<vmem>> -> memref<1x32x768xf32, #tpu.memory_space<vmem>>
      %dma_wait3A_236 = tpu.memref_squeeze %dma_wait3A_235 : memref<1x32x768xf32, #tpu.memory_space<vmem>> -> memref<32x768xf32, #tpu.memory_space<vmem>>
      %dma_wait3A_237 = arith.constant 0 : i32
      %dma_wait3A_238 = arith.constant 0 : i32
      %dma_wait3A_239 = tpu.memref_slice %arg4[%dma_wait3A_237, %dma_wait3A_238] : memref<51200x768xf32, #tpu.memory_space<hbm>> -> memref<32x768xf32, #tpu.memory_space<hbm>>
      tpu.wait_dma2 semaphore(%dma_wait3A_232 : memref<!tpu.dma_semaphore, #tpu.memory_space<semaphore_mem>>) src(%dma_wait3A_239 : memref<32x768xf32, #tpu.memory_space<hbm>>) dst(%dma_wait3A_236 : memref<32x768xf32, #tpu.memory_space<vmem>>)
      %mul3A_240 = arith.constant 32 : i32
      %mul3A_241 = arith.muli %add3A_221, %mul3A_240 : i32
      %add3A_242 = arith.addi %mul3A_2, %mul3A_241 : i32
      %dma_start3A_243 = arith.constant 1 : i32
      %dma_start3A_244 = arith.constant 1 : i32
      %dma_start3A_245 = arith.constant 0 : i32
      %dma_start3A_246 = arith.constant 0 : i32
      %dma_start3A_247 = tpu.memref_slice %arg6[%dma_start3A_243, %dma_start3A_245, %dma_start3A_246] : memref<5x32x768xf32, #tpu.memory_space<vmem>> -> memref<1x32x768xf32, #tpu.memory_space<vmem>>
      %dma_start3A_248 = tpu.memref_squeeze %dma_start3A_247 : memref<1x32x768xf32, #tpu.memory_space<vmem>> -> memref<32x768xf32, #tpu.memory_space<vmem>>
      %dma_start3A_249 = arith.constant 0 : i32
      %dma_start3A_250 = tpu.memref_slice %arg4[%add3A_242, %dma_start3A_249] : memref<51200x768xf32, #tpu.memory_space<hbm>> -> memref<32x768xf32, #tpu.memory_space<hbm>>
      %dma_start3A_251 = tpu.memref_slice %arg8[%dma_start3A_244] : memref<5x!tpu.dma_semaphore, #tpu.memory_space<semaphore_mem>> -> memref<1x!tpu.dma_semaphore, #tpu.memory_space<semaphore_mem>>
      %dma_start3A_252 = tpu.memref_squeeze %dma_start3A_251 : memref<1x!tpu.dma_semaphore, #tpu.memory_space<semaphore_mem>> -> memref<!tpu.dma_semaphore, #tpu.memory_space<semaphore_mem>>
      %dma_start3A_253 = arith.constant 0 : i32
      %dma_start3A_254 = tpu.memref_slice %arg4[%add3A_242, %dma_start3A_253] : memref<51200x768xf32, #tpu.memory_space<hbm>> -> memref<32x768xf32, #tpu.memory_space<hbm>>
      %dma_start3A_255 = arith.constant 0 : i32
      %dma_start3A_256 = arith.constant 0 : i32
      %dma_start3A_257 = tpu.memref_slice %arg6[%dma_start3A_243, %dma_start3A_255, %dma_start3A_256] : memref<5x32x768xf32, #tpu.memory_space<vmem>> -> memref<1x32x768xf32, #tpu.memory_space<vmem>>
      %dma_start3A_258 = tpu.memref_squeeze %dma_start3A_257 : memref<1x32x768xf32, #tpu.memory_space<vmem>> -> memref<32x768xf32, #tpu.memory_space<vmem>>
      tpu.enqueue_dma source(%dma_start3A_258 : memref<32x768xf32, #tpu.memory_space<vmem>>) target(%dma_start3A_254 : memref<32x768xf32, #tpu.memory_space<hbm>>) target_semaphore(%dma_start3A_252 : memref<!tpu.dma_semaphore, #tpu.memory_space<semaphore_mem>>)
      %ge3A_259 = arith.constant 2 : i32
      %ge3A_260 = arith.cmpi sge, %add3A_221, %ge3A_259 : i32
      %add3A_261 = arith.constant 3 : i32
      %add3A_262 = arith.addi %add3A_221, %add3A_261 : i32
      %lt3A_263 = arith.constant 50 : i32
      %lt3A_264 = arith.cmpi slt, %add3A_262, %lt3A_263 : i32
      %and3A_265 = arith.andi %ge3A_260, %lt3A_264 : i1
      %convert_element_type3A_266 = arith.extui %and3A_265 : i1 to i32
      %cond3A_267 = arith.constant 0 : i32
      %cond3A_268 = arith.cmpi ne, %convert_element_type3A_266, %cond3A_267 : i32
      scf.if %cond3A_268 {
        %dma_wait3A_422 = arith.constant 4 : i32
        %dma_wait3A_423 = arith.constant 4 : i32
        %dma_wait3A_424 = arith.constant 0 : i32
        %dma_wait3A_425 = arith.constant 0 : i32
        %dma_wait3A_426 = tpu.memref_slice %arg6[%dma_wait3A_422, %dma_wait3A_424, %dma_wait3A_425] : memref<5x32x768xf32, #tpu.memory_space<vmem>> -> memref<1x32x768xf32, #tpu.memory_space<vmem>>
        %dma_wait3A_427 = tpu.memref_squeeze %dma_wait3A_426 : memref<1x32x768xf32, #tpu.memory_space<vmem>> -> memref<32x768xf32, #tpu.memory_space<vmem>>
        %dma_wait3A_428 = arith.constant 0 : i32
        %dma_wait3A_429 = arith.constant 0 : i32
        %dma_wait3A_430 = tpu.memref_slice %arg4[%dma_wait3A_428, %dma_wait3A_429] : memref<51200x768xf32, #tpu.memory_space<hbm>> -> memref<32x768xf32, #tpu.memory_space<hbm>>
        %dma_wait3A_431 = tpu.memref_slice %arg8[%dma_wait3A_423] : memref<5x!tpu.dma_semaphore, #tpu.memory_space<semaphore_mem>> -> memref<1x!tpu.dma_semaphore, #tpu.memory_space<semaphore_mem>>
        %dma_wait3A_432 = tpu.memref_squeeze %dma_wait3A_431 : memref<1x!tpu.dma_semaphore, #tpu.memory_space<semaphore_mem>> -> memref<!tpu.dma_semaphore, #tpu.memory_space<semaphore_mem>>
        %dma_wait3A_433 = arith.constant 0 : i32
        %dma_wait3A_434 = arith.constant 0 : i32
        %dma_wait3A_435 = tpu.memref_slice %arg4[%dma_wait3A_433, %dma_wait3A_434] : memref<51200x768xf32, #tpu.memory_space<hbm>> -> memref<32x768xf32, #tpu.memory_space<hbm>>
        %dma_wait3A_436 = arith.constant 0 : i32
        %dma_wait3A_437 = arith.constant 0 : i32
        %dma_wait3A_438 = tpu.memref_slice %arg6[%dma_wait3A_422, %dma_wait3A_436, %dma_wait3A_437] : memref<5x32x768xf32, #tpu.memory_space<vmem>> -> memref<1x32x768xf32, #tpu.memory_space<vmem>>
        %dma_wait3A_439 = tpu.memref_squeeze %dma_wait3A_438 : memref<1x32x768xf32, #tpu.memory_space<vmem>> -> memref<32x768xf32, #tpu.memory_space<vmem>>
        tpu.wait_dma2 semaphore(%dma_wait3A_432 : memref<!tpu.dma_semaphore, #tpu.memory_space<semaphore_mem>>) src(%dma_wait3A_439 : memref<32x768xf32, #tpu.memory_space<vmem>>) dst(%dma_wait3A_435 : memref<32x768xf32, #tpu.memory_space<hbm>>)
        %add3A_440 = arith.constant 3 : i32
        %add3A_441 = arith.addi %add3A_221, %add3A_440 : i32
        %dma_start3A_442 = arith.constant 4 : i32
        %dma_start3A_443 = arith.constant 4 : i32
        %dma_start3A_444 = arith.constant 0 : i32
        %dma_start3A_445 = arith.constant 0 : i32
        %dma_start3A_446 = tpu.memref_slice %arg6[%dma_start3A_442, %dma_start3A_444, %dma_start3A_445] : memref<5x32x768xf32, #tpu.memory_space<vmem>> -> memref<1x32x768xf32, #tpu.memory_space<vmem>>
        %dma_start3A_447 = tpu.memref_squeeze %dma_start3A_446 : memref<1x32x768xf32, #tpu.memory_space<vmem>> -> memref<32x768xf32, #tpu.memory_space<vmem>>
        %dma_start3A_448 = arith.constant 0 : i32
        %dma_start3A_449 = tpu.memref_slice %arg5[%add3A_441, %dma_start3A_448] : memref<50x32xi32, #tpu.memory_space<vmem>> -> memref<1x32xi32, #tpu.memory_space<vmem>>
        %dma_start3A_450 = tpu.memref_squeeze %dma_start3A_449 : memref<1x32xi32, #tpu.memory_space<vmem>> -> memref<32xi32, #tpu.memory_space<vmem>>
        %dma_start3A_451 = arith.constant 0 : i32
        %dma_start3A_452 = arith.constant 0 : i32
        %dma_start3A_453 = tpu.memref_slice %arg2[%dma_start3A_451, %dma_start3A_452] : memref<30522x768xf32, #tpu.memory_space<hbm>> -> memref<30522x768xf32, #tpu.memory_space<hbm>>
        %dma_start3A_454 = tpu.memref_slice %arg7[%dma_start3A_443] : memref<5x!tpu.dma_semaphore, #tpu.memory_space<semaphore_mem>> -> memref<1x!tpu.dma_semaphore, #tpu.memory_space<semaphore_mem>>
        %dma_start3A_455 = tpu.memref_squeeze %dma_start3A_454 : memref<1x!tpu.dma_semaphore, #tpu.memory_space<semaphore_mem>> -> memref<!tpu.dma_semaphore, #tpu.memory_space<semaphore_mem>>
        tpu.enqueue_indirect_dma source(%dma_start3A_453 : memref<30522x768xf32, #tpu.memory_space<hbm>>) target(%dma_start3A_447 : memref<32x768xf32, #tpu.memory_space<vmem>>) offsets(%dma_start3A_450 : memref<32xi32, #tpu.memory_space<vmem>>) semaphore(%dma_start3A_455 : memref<!tpu.dma_semaphore, #tpu.memory_space<semaphore_mem>>)
      } else {
      }
      %mul3A_269 = arith.constant 5 : i32
      %mul3A_270 = arith.muli %scan3A_171, %mul3A_269 : i32
      %add3A_271 = arith.constant 2 : i32
      %add3A_272 = arith.addi %mul3A_270, %add3A_271 : i32
      %dma_wait3A_273 = arith.constant 2 : i32
      %dma_wait3A_274 = arith.constant 2 : i32
      %dma_wait3A_275 = arith.constant 0 : i32
      %dma_wait3A_276 = arith.constant 0 : i32
      %dma_wait3A_277 = tpu.memref_slice %arg6[%dma_wait3A_273, %dma_wait3A_275, %dma_wait3A_276] : memref<5x32x768xf32, #tpu.memory_space<vmem>> -> memref<1x32x768xf32, #tpu.memory_space<vmem>>
      %dma_wait3A_278 = tpu.memref_squeeze %dma_wait3A_277 : memref<1x32x768xf32, #tpu.memory_space<vmem>> -> memref<32x768xf32, #tpu.memory_space<vmem>>
      %dma_wait3A_279 = arith.constant 0 : i32
      %dma_wait3A_280 = arith.constant 0 : i32
      %dma_wait3A_281 = tpu.memref_slice %arg4[%dma_wait3A_279, %dma_wait3A_280] : memref<51200x768xf32, #tpu.memory_space<hbm>> -> memref<32x768xf32, #tpu.memory_space<hbm>>
      %dma_wait3A_282 = tpu.memref_slice %arg7[%dma_wait3A_274] : memref<5x!tpu.dma_semaphore, #tpu.memory_space<semaphore_mem>> -> memref<1x!tpu.dma_semaphore, #tpu.memory_space<semaphore_mem>>
      %dma_wait3A_283 = tpu.memref_squeeze %dma_wait3A_282 : memref<1x!tpu.dma_semaphore, #tpu.memory_space<semaphore_mem>> -> memref<!tpu.dma_semaphore, #tpu.memory_space<semaphore_mem>>
      %dma_wait3A_284 = arith.constant 0 : i32
      %dma_wait3A_285 = arith.constant 0 : i32
      %dma_wait3A_286 = tpu.memref_slice %arg6[%dma_wait3A_273, %dma_wait3A_284, %dma_wait3A_285] : memref<5x32x768xf32, #tpu.memory_space<vmem>> -> memref<1x32x768xf32, #tpu.memory_space<vmem>>
      %dma_wait3A_287 = tpu.memref_squeeze %dma_wait3A_286 : memref<1x32x768xf32, #tpu.memory_space<vmem>> -> memref<32x768xf32, #tpu.memory_space<vmem>>
      %dma_wait3A_288 = arith.constant 0 : i32
      %dma_wait3A_289 = arith.constant 0 : i32
      %dma_wait3A_290 = tpu.memref_slice %arg4[%dma_wait3A_288, %dma_wait3A_289] : memref<51200x768xf32, #tpu.memory_space<hbm>> -> memref<32x768xf32, #tpu.memory_space<hbm>>
      tpu.wait_dma2 semaphore(%dma_wait3A_283 : memref<!tpu.dma_semaphore, #tpu.memory_space<semaphore_mem>>) src(%dma_wait3A_290 : memref<32x768xf32, #tpu.memory_space<hbm>>) dst(%dma_wait3A_287 : memref<32x768xf32, #tpu.memory_space<vmem>>)
      %mul3A_291 = arith.constant 32 : i32
      %mul3A_292 = arith.muli %add3A_272, %mul3A_291 : i32
      %add3A_293 = arith.addi %mul3A_2, %mul3A_292 : i32
      %dma_start3A_294 = arith.constant 2 : i32
      %dma_start3A_295 = arith.constant 2 : i32
      %dma_start3A_296 = arith.constant 0 : i32
      %dma_start3A_297 = arith.constant 0 : i32
      %dma_start3A_298 = tpu.memref_slice %arg6[%dma_start3A_294, %dma_start3A_296, %dma_start3A_297] : memref<5x32x768xf32, #tpu.memory_space<vmem>> -> memref<1x32x768xf32, #tpu.memory_space<vmem>>
      %dma_start3A_299 = tpu.memref_squeeze %dma_start3A_298 : memref<1x32x768xf32, #tpu.memory_space<vmem>> -> memref<32x768xf32, #tpu.memory_space<vmem>>
      %dma_start3A_300 = arith.constant 0 : i32
      %dma_start3A_301 = tpu.memref_slice %arg4[%add3A_293, %dma_start3A_300] : memref<51200x768xf32, #tpu.memory_space<hbm>> -> memref<32x768xf32, #tpu.memory_space<hbm>>
      %dma_start3A_302 = tpu.memref_slice %arg8[%dma_start3A_295] : memref<5x!tpu.dma_semaphore, #tpu.memory_space<semaphore_mem>> -> memref<1x!tpu.dma_semaphore, #tpu.memory_space<semaphore_mem>>
      %dma_start3A_303 = tpu.memref_squeeze %dma_start3A_302 : memref<1x!tpu.dma_semaphore, #tpu.memory_space<semaphore_mem>> -> memref<!tpu.dma_semaphore, #tpu.memory_space<semaphore_mem>>
      %dma_start3A_304 = arith.constant 0 : i32
      %dma_start3A_305 = tpu.memref_slice %arg4[%add3A_293, %dma_start3A_304] : memref<51200x768xf32, #tpu.memory_space<hbm>> -> memref<32x768xf32, #tpu.memory_space<hbm>>
      %dma_start3A_306 = arith.constant 0 : i32
      %dma_start3A_307 = arith.constant 0 : i32
      %dma_start3A_308 = tpu.memref_slice %arg6[%dma_start3A_294, %dma_start3A_306, %dma_start3A_307] : memref<5x32x768xf32, #tpu.memory_space<vmem>> -> memref<1x32x768xf32, #tpu.memory_space<vmem>>
      %dma_start3A_309 = tpu.memref_squeeze %dma_start3A_308 : memref<1x32x768xf32, #tpu.memory_space<vmem>> -> memref<32x768xf32, #tpu.memory_space<vmem>>
      tpu.enqueue_dma source(%dma_start3A_309 : memref<32x768xf32, #tpu.memory_space<vmem>>) target(%dma_start3A_305 : memref<32x768xf32, #tpu.memory_space<hbm>>) target_semaphore(%dma_start3A_303 : memref<!tpu.dma_semaphore, #tpu.memory_space<semaphore_mem>>)
      %ge3A_310 = arith.constant 2 : i32
      %ge3A_311 = arith.cmpi sge, %add3A_272, %ge3A_310 : i32
      %add3A_312 = arith.constant 3 : i32
      %add3A_313 = arith.addi %add3A_272, %add3A_312 : i32
      %lt3A_314 = arith.constant 50 : i32
      %lt3A_315 = arith.cmpi slt, %add3A_313, %lt3A_314 : i32
      %and3A_316 = arith.andi %ge3A_311, %lt3A_315 : i1
      %convert_element_type3A_317 = arith.extui %and3A_316 : i1 to i32
      %cond3A_318 = arith.constant 0 : i32
      %cond3A_319 = arith.cmpi ne, %convert_element_type3A_317, %cond3A_318 : i32
      scf.if %cond3A_319 {
        %dma_wait3A_422 = arith.constant 0 : i32
        %dma_wait3A_423 = arith.constant 0 : i32
        %dma_wait3A_424 = arith.constant 0 : i32
        %dma_wait3A_425 = arith.constant 0 : i32
        %dma_wait3A_426 = tpu.memref_slice %arg6[%dma_wait3A_422, %dma_wait3A_424, %dma_wait3A_425] : memref<5x32x768xf32, #tpu.memory_space<vmem>> -> memref<1x32x768xf32, #tpu.memory_space<vmem>>
        %dma_wait3A_427 = tpu.memref_squeeze %dma_wait3A_426 : memref<1x32x768xf32, #tpu.memory_space<vmem>> -> memref<32x768xf32, #tpu.memory_space<vmem>>
        %dma_wait3A_428 = arith.constant 0 : i32
        %dma_wait3A_429 = arith.constant 0 : i32
        %dma_wait3A_430 = tpu.memref_slice %arg4[%dma_wait3A_428, %dma_wait3A_429] : memref<51200x768xf32, #tpu.memory_space<hbm>> -> memref<32x768xf32, #tpu.memory_space<hbm>>
        %dma_wait3A_431 = tpu.memref_slice %arg8[%dma_wait3A_423] : memref<5x!tpu.dma_semaphore, #tpu.memory_space<semaphore_mem>> -> memref<1x!tpu.dma_semaphore, #tpu.memory_space<semaphore_mem>>
        %dma_wait3A_432 = tpu.memref_squeeze %dma_wait3A_431 : memref<1x!tpu.dma_semaphore, #tpu.memory_space<semaphore_mem>> -> memref<!tpu.dma_semaphore, #tpu.memory_space<semaphore_mem>>
        %dma_wait3A_433 = arith.constant 0 : i32
        %dma_wait3A_434 = arith.constant 0 : i32
        %dma_wait3A_435 = tpu.memref_slice %arg4[%dma_wait3A_433, %dma_wait3A_434] : memref<51200x768xf32, #tpu.memory_space<hbm>> -> memref<32x768xf32, #tpu.memory_space<hbm>>
        %dma_wait3A_436 = arith.constant 0 : i32
        %dma_wait3A_437 = arith.constant 0 : i32
        %dma_wait3A_438 = tpu.memref_slice %arg6[%dma_wait3A_422, %dma_wait3A_436, %dma_wait3A_437] : memref<5x32x768xf32, #tpu.memory_space<vmem>> -> memref<1x32x768xf32, #tpu.memory_space<vmem>>
        %dma_wait3A_439 = tpu.memref_squeeze %dma_wait3A_438 : memref<1x32x768xf32, #tpu.memory_space<vmem>> -> memref<32x768xf32, #tpu.memory_space<vmem>>
        tpu.wait_dma2 semaphore(%dma_wait3A_432 : memref<!tpu.dma_semaphore, #tpu.memory_space<semaphore_mem>>) src(%dma_wait3A_439 : memref<32x768xf32, #tpu.memory_space<vmem>>) dst(%dma_wait3A_435 : memref<32x768xf32, #tpu.memory_space<hbm>>)
        %add3A_440 = arith.constant 3 : i32
        %add3A_441 = arith.addi %add3A_272, %add3A_440 : i32
        %dma_start3A_442 = arith.constant 0 : i32
        %dma_start3A_443 = arith.constant 0 : i32
        %dma_start3A_444 = arith.constant 0 : i32
        %dma_start3A_445 = arith.constant 0 : i32
        %dma_start3A_446 = tpu.memref_slice %arg6[%dma_start3A_442, %dma_start3A_444, %dma_start3A_445] : memref<5x32x768xf32, #tpu.memory_space<vmem>> -> memref<1x32x768xf32, #tpu.memory_space<vmem>>
        %dma_start3A_447 = tpu.memref_squeeze %dma_start3A_446 : memref<1x32x768xf32, #tpu.memory_space<vmem>> -> memref<32x768xf32, #tpu.memory_space<vmem>>
        %dma_start3A_448 = arith.constant 0 : i32
        %dma_start3A_449 = tpu.memref_slice %arg5[%add3A_441, %dma_start3A_448] : memref<50x32xi32, #tpu.memory_space<vmem>> -> memref<1x32xi32, #tpu.memory_space<vmem>>
        %dma_start3A_450 = tpu.memref_squeeze %dma_start3A_449 : memref<1x32xi32, #tpu.memory_space<vmem>> -> memref<32xi32, #tpu.memory_space<vmem>>
        %dma_start3A_451 = arith.constant 0 : i32
        %dma_start3A_452 = arith.constant 0 : i32
        %dma_start3A_453 = tpu.memref_slice %arg2[%dma_start3A_451, %dma_start3A_452] : memref<30522x768xf32, #tpu.memory_space<hbm>> -> memref<30522x768xf32, #tpu.memory_space<hbm>>
        %dma_start3A_454 = tpu.memref_slice %arg7[%dma_start3A_443] : memref<5x!tpu.dma_semaphore, #tpu.memory_space<semaphore_mem>> -> memref<1x!tpu.dma_semaphore, #tpu.memory_space<semaphore_mem>>
        %dma_start3A_455 = tpu.memref_squeeze %dma_start3A_454 : memref<1x!tpu.dma_semaphore, #tpu.memory_space<semaphore_mem>> -> memref<!tpu.dma_semaphore, #tpu.memory_space<semaphore_mem>>
        tpu.enqueue_indirect_dma source(%dma_start3A_453 : memref<30522x768xf32, #tpu.memory_space<hbm>>) target(%dma_start3A_447 : memref<32x768xf32, #tpu.memory_space<vmem>>) offsets(%dma_start3A_450 : memref<32xi32, #tpu.memory_space<vmem>>) semaphore(%dma_start3A_455 : memref<!tpu.dma_semaphore, #tpu.memory_space<semaphore_mem>>)
      } else {
      }
      %mul3A_320 = arith.constant 5 : i32
      %mul3A_321 = arith.muli %scan3A_171, %mul3A_320 : i32
      %add3A_322 = arith.constant 3 : i32
      %add3A_323 = arith.addi %mul3A_321, %add3A_322 : i32
      %dma_wait3A_324 = arith.constant 3 : i32
      %dma_wait3A_325 = arith.constant 3 : i32
      %dma_wait3A_326 = arith.constant 0 : i32
      %dma_wait3A_327 = arith.constant 0 : i32
      %dma_wait3A_328 = tpu.memref_slice %arg6[%dma_wait3A_324, %dma_wait3A_326, %dma_wait3A_327] : memref<5x32x768xf32, #tpu.memory_space<vmem>> -> memref<1x32x768xf32, #tpu.memory_space<vmem>>
      %dma_wait3A_329 = tpu.memref_squeeze %dma_wait3A_328 : memref<1x32x768xf32, #tpu.memory_space<vmem>> -> memref<32x768xf32, #tpu.memory_space<vmem>>
      %dma_wait3A_330 = arith.constant 0 : i32
      %dma_wait3A_331 = arith.constant 0 : i32
      %dma_wait3A_332 = tpu.memref_slice %arg4[%dma_wait3A_330, %dma_wait3A_331] : memref<51200x768xf32, #tpu.memory_space<hbm>> -> memref<32x768xf32, #tpu.memory_space<hbm>>
      %dma_wait3A_333 = tpu.memref_slice %arg7[%dma_wait3A_325] : memref<5x!tpu.dma_semaphore, #tpu.memory_space<semaphore_mem>> -> memref<1x!tpu.dma_semaphore, #tpu.memory_space<semaphore_mem>>
      %dma_wait3A_334 = tpu.memref_squeeze %dma_wait3A_333 : memref<1x!tpu.dma_semaphore, #tpu.memory_space<semaphore_mem>> -> memref<!tpu.dma_semaphore, #tpu.memory_space<semaphore_mem>>
      %dma_wait3A_335 = arith.constant 0 : i32
      %dma_wait3A_336 = arith.constant 0 : i32
      %dma_wait3A_337 = tpu.memref_slice %arg6[%dma_wait3A_324, %dma_wait3A_335, %dma_wait3A_336] : memref<5x32x768xf32, #tpu.memory_space<vmem>> -> memref<1x32x768xf32, #tpu.memory_space<vmem>>
      %dma_wait3A_338 = tpu.memref_squeeze %dma_wait3A_337 : memref<1x32x768xf32, #tpu.memory_space<vmem>> -> memref<32x768xf32, #tpu.memory_space<vmem>>
      %dma_wait3A_339 = arith.constant 0 : i32
      %dma_wait3A_340 = arith.constant 0 : i32
      %dma_wait3A_341 = tpu.memref_slice %arg4[%dma_wait3A_339, %dma_wait3A_340] : memref<51200x768xf32, #tpu.memory_space<hbm>> -> memref<32x768xf32, #tpu.memory_space<hbm>>
      tpu.wait_dma2 semaphore(%dma_wait3A_334 : memref<!tpu.dma_semaphore, #tpu.memory_space<semaphore_mem>>) src(%dma_wait3A_341 : memref<32x768xf32, #tpu.memory_space<hbm>>) dst(%dma_wait3A_338 : memref<32x768xf32, #tpu.memory_space<vmem>>)
      %mul3A_342 = arith.constant 32 : i32
      %mul3A_343 = arith.muli %add3A_323, %mul3A_342 : i32
      %add3A_344 = arith.addi %mul3A_2, %mul3A_343 : i32
      %dma_start3A_345 = arith.constant 3 : i32
      %dma_start3A_346 = arith.constant 3 : i32
      %dma_start3A_347 = arith.constant 0 : i32
      %dma_start3A_348 = arith.constant 0 : i32
      %dma_start3A_349 = tpu.memref_slice %arg6[%dma_start3A_345, %dma_start3A_347, %dma_start3A_348] : memref<5x32x768xf32, #tpu.memory_space<vmem>> -> memref<1x32x768xf32, #tpu.memory_space<vmem>>
      %dma_start3A_350 = tpu.memref_squeeze %dma_start3A_349 : memref<1x32x768xf32, #tpu.memory_space<vmem>> -> memref<32x768xf32, #tpu.memory_space<vmem>>
      %dma_start3A_351 = arith.constant 0 : i32
      %dma_start3A_352 = tpu.memref_slice %arg4[%add3A_344, %dma_start3A_351] : memref<51200x768xf32, #tpu.memory_space<hbm>> -> memref<32x768xf32, #tpu.memory_space<hbm>>
      %dma_start3A_353 = tpu.memref_slice %arg8[%dma_start3A_346] : memref<5x!tpu.dma_semaphore, #tpu.memory_space<semaphore_mem>> -> memref<1x!tpu.dma_semaphore, #tpu.memory_space<semaphore_mem>>
      %dma_start3A_354 = tpu.memref_squeeze %dma_start3A_353 : memref<1x!tpu.dma_semaphore, #tpu.memory_space<semaphore_mem>> -> memref<!tpu.dma_semaphore, #tpu.memory_space<semaphore_mem>>
      %dma_start3A_355 = arith.constant 0 : i32
      %dma_start3A_356 = tpu.memref_slice %arg4[%add3A_344, %dma_start3A_355] : memref<51200x768xf32, #tpu.memory_space<hbm>> -> memref<32x768xf32, #tpu.memory_space<hbm>>
      %dma_start3A_357 = arith.constant 0 : i32
      %dma_start3A_358 = arith.constant 0 : i32
      %dma_start3A_359 = tpu.memref_slice %arg6[%dma_start3A_345, %dma_start3A_357, %dma_start3A_358] : memref<5x32x768xf32, #tpu.memory_space<vmem>> -> memref<1x32x768xf32, #tpu.memory_space<vmem>>
      %dma_start3A_360 = tpu.memref_squeeze %dma_start3A_359 : memref<1x32x768xf32, #tpu.memory_space<vmem>> -> memref<32x768xf32, #tpu.memory_space<vmem>>
      tpu.enqueue_dma source(%dma_start3A_360 : memref<32x768xf32, #tpu.memory_space<vmem>>) target(%dma_start3A_356 : memref<32x768xf32, #tpu.memory_space<hbm>>) target_semaphore(%dma_start3A_354 : memref<!tpu.dma_semaphore, #tpu.memory_space<semaphore_mem>>)
      %ge3A_361 = arith.constant 2 : i32
      %ge3A_362 = arith.cmpi sge, %add3A_323, %ge3A_361 : i32
      %add3A_363 = arith.constant 3 : i32
      %add3A_364 = arith.addi %add3A_323, %add3A_363 : i32
      %lt3A_365 = arith.constant 50 : i32
      %lt3A_366 = arith.cmpi slt, %add3A_364, %lt3A_365 : i32
      %and3A_367 = arith.andi %ge3A_362, %lt3A_366 : i1
      %convert_element_type3A_368 = arith.extui %and3A_367 : i1 to i32
      %cond3A_369 = arith.constant 0 : i32
      %cond3A_370 = arith.cmpi ne, %convert_element_type3A_368, %cond3A_369 : i32
      scf.if %cond3A_370 {
        %dma_wait3A_422 = arith.constant 1 : i32
        %dma_wait3A_423 = arith.constant 1 : i32
        %dma_wait3A_424 = arith.constant 0 : i32
        %dma_wait3A_425 = arith.constant 0 : i32
        %dma_wait3A_426 = tpu.memref_slice %arg6[%dma_wait3A_422, %dma_wait3A_424, %dma_wait3A_425] : memref<5x32x768xf32, #tpu.memory_space<vmem>> -> memref<1x32x768xf32, #tpu.memory_space<vmem>>
        %dma_wait3A_427 = tpu.memref_squeeze %dma_wait3A_426 : memref<1x32x768xf32, #tpu.memory_space<vmem>> -> memref<32x768xf32, #tpu.memory_space<vmem>>
        %dma_wait3A_428 = arith.constant 0 : i32
        %dma_wait3A_429 = arith.constant 0 : i32
        %dma_wait3A_430 = tpu.memref_slice %arg4[%dma_wait3A_428, %dma_wait3A_429] : memref<51200x768xf32, #tpu.memory_space<hbm>> -> memref<32x768xf32, #tpu.memory_space<hbm>>
        %dma_wait3A_431 = tpu.memref_slice %arg8[%dma_wait3A_423] : memref<5x!tpu.dma_semaphore, #tpu.memory_space<semaphore_mem>> -> memref<1x!tpu.dma_semaphore, #tpu.memory_space<semaphore_mem>>
        %dma_wait3A_432 = tpu.memref_squeeze %dma_wait3A_431 : memref<1x!tpu.dma_semaphore, #tpu.memory_space<semaphore_mem>> -> memref<!tpu.dma_semaphore, #tpu.memory_space<semaphore_mem>>
        %dma_wait3A_433 = arith.constant 0 : i32
        %dma_wait3A_434 = arith.constant 0 : i32
        %dma_wait3A_435 = tpu.memref_slice %arg4[%dma_wait3A_433, %dma_wait3A_434] : memref<51200x768xf32, #tpu.memory_space<hbm>> -> memref<32x768xf32, #tpu.memory_space<hbm>>
        %dma_wait3A_436 = arith.constant 0 : i32
        %dma_wait3A_437 = arith.constant 0 : i32
        %dma_wait3A_438 = tpu.memref_slice %arg6[%dma_wait3A_422, %dma_wait3A_436, %dma_wait3A_437] : memref<5x32x768xf32, #tpu.memory_space<vmem>> -> memref<1x32x768xf32, #tpu.memory_space<vmem>>
        %dma_wait3A_439 = tpu.memref_squeeze %dma_wait3A_438 : memref<1x32x768xf32, #tpu.memory_space<vmem>> -> memref<32x768xf32, #tpu.memory_space<vmem>>
        tpu.wait_dma2 semaphore(%dma_wait3A_432 : memref<!tpu.dma_semaphore, #tpu.memory_space<semaphore_mem>>) src(%dma_wait3A_439 : memref<32x768xf32, #tpu.memory_space<vmem>>) dst(%dma_wait3A_435 : memref<32x768xf32, #tpu.memory_space<hbm>>)
        %add3A_440 = arith.constant 3 : i32
        %add3A_441 = arith.addi %add3A_323, %add3A_440 : i32
        %dma_start3A_442 = arith.constant 1 : i32
        %dma_start3A_443 = arith.constant 1 : i32
        %dma_start3A_444 = arith.constant 0 : i32
        %dma_start3A_445 = arith.constant 0 : i32
        %dma_start3A_446 = tpu.memref_slice %arg6[%dma_start3A_442, %dma_start3A_444, %dma_start3A_445] : memref<5x32x768xf32, #tpu.memory_space<vmem>> -> memref<1x32x768xf32, #tpu.memory_space<vmem>>
        %dma_start3A_447 = tpu.memref_squeeze %dma_start3A_446 : memref<1x32x768xf32, #tpu.memory_space<vmem>> -> memref<32x768xf32, #tpu.memory_space<vmem>>
        %dma_start3A_448 = arith.constant 0 : i32
        %dma_start3A_449 = tpu.memref_slice %arg5[%add3A_441, %dma_start3A_448] : memref<50x32xi32, #tpu.memory_space<vmem>> -> memref<1x32xi32, #tpu.memory_space<vmem>>
        %dma_start3A_450 = tpu.memref_squeeze %dma_start3A_449 : memref<1x32xi32, #tpu.memory_space<vmem>> -> memref<32xi32, #tpu.memory_space<vmem>>
        %dma_start3A_451 = arith.constant 0 : i32
        %dma_start3A_452 = arith.constant 0 : i32
        %dma_start3A_453 = tpu.memref_slice %arg2[%dma_start3A_451, %dma_start3A_452] : memref<30522x768xf32, #tpu.memory_space<hbm>> -> memref<30522x768xf32, #tpu.memory_space<hbm>>
        %dma_start3A_454 = tpu.memref_slice %arg7[%dma_start3A_443] : memref<5x!tpu.dma_semaphore, #tpu.memory_space<semaphore_mem>> -> memref<1x!tpu.dma_semaphore, #tpu.memory_space<semaphore_mem>>
        %dma_start3A_455 = tpu.memref_squeeze %dma_start3A_454 : memref<1x!tpu.dma_semaphore, #tpu.memory_space<semaphore_mem>> -> memref<!tpu.dma_semaphore, #tpu.memory_space<semaphore_mem>>
        tpu.enqueue_indirect_dma source(%dma_start3A_453 : memref<30522x768xf32, #tpu.memory_space<hbm>>) target(%dma_start3A_447 : memref<32x768xf32, #tpu.memory_space<vmem>>) offsets(%dma_start3A_450 : memref<32xi32, #tpu.memory_space<vmem>>) semaphore(%dma_start3A_455 : memref<!tpu.dma_semaphore, #tpu.memory_space<semaphore_mem>>)
      } else {
      }
      %mul3A_371 = arith.constant 5 : i32
      %mul3A_372 = arith.muli %scan3A_171, %mul3A_371 : i32
      %add3A_373 = arith.constant 4 : i32
      %add3A_374 = arith.addi %mul3A_372, %add3A_373 : i32
      %dma_wait3A_375 = arith.constant 4 : i32
      %dma_wait3A_376 = arith.constant 4 : i32
      %dma_wait3A_377 = arith.constant 0 : i32
      %dma_wait3A_378 = arith.constant 0 : i32
      %dma_wait3A_379 = tpu.memref_slice %arg6[%dma_wait3A_375, %dma_wait3A_377, %dma_wait3A_378] : memref<5x32x768xf32, #tpu.memory_space<vmem>> -> memref<1x32x768xf32, #tpu.memory_space<vmem>>
      %dma_wait3A_380 = tpu.memref_squeeze %dma_wait3A_379 : memref<1x32x768xf32, #tpu.memory_space<vmem>> -> memref<32x768xf32, #tpu.memory_space<vmem>>
      %dma_wait3A_381 = arith.constant 0 : i32
      %dma_wait3A_382 = arith.constant 0 : i32
      %dma_wait3A_383 = tpu.memref_slice %arg4[%dma_wait3A_381, %dma_wait3A_382] : memref<51200x768xf32, #tpu.memory_space<hbm>> -> memref<32x768xf32, #tpu.memory_space<hbm>>
      %dma_wait3A_384 = tpu.memref_slice %arg7[%dma_wait3A_376] : memref<5x!tpu.dma_semaphore, #tpu.memory_space<semaphore_mem>> -> memref<1x!tpu.dma_semaphore, #tpu.memory_space<semaphore_mem>>
      %dma_wait3A_385 = tpu.memref_squeeze %dma_wait3A_384 : memref<1x!tpu.dma_semaphore, #tpu.memory_space<semaphore_mem>> -> memref<!tpu.dma_semaphore, #tpu.memory_space<semaphore_mem>>
      %dma_wait3A_386 = arith.constant 0 : i32
      %dma_wait3A_387 = arith.constant 0 : i32
      %dma_wait3A_388 = tpu.memref_slice %arg6[%dma_wait3A_375, %dma_wait3A_386, %dma_wait3A_387] : memref<5x32x768xf32, #tpu.memory_space<vmem>> -> memref<1x32x768xf32, #tpu.memory_space<vmem>>
      %dma_wait3A_389 = tpu.memref_squeeze %dma_wait3A_388 : memref<1x32x768xf32, #tpu.memory_space<vmem>> -> memref<32x768xf32, #tpu.memory_space<vmem>>
      %dma_wait3A_390 = arith.constant 0 : i32
      %dma_wait3A_391 = arith.constant 0 : i32
      %dma_wait3A_392 = tpu.memref_slice %arg4[%dma_wait3A_390, %dma_wait3A_391] : memref<51200x768xf32, #tpu.memory_space<hbm>> -> memref<32x768xf32, #tpu.memory_space<hbm>>
      tpu.wait_dma2 semaphore(%dma_wait3A_385 : memref<!tpu.dma_semaphore, #tpu.memory_space<semaphore_mem>>) src(%dma_wait3A_392 : memref<32x768xf32, #tpu.memory_space<hbm>>) dst(%dma_wait3A_389 : memref<32x768xf32, #tpu.memory_space<vmem>>)
      %mul3A_393 = arith.constant 32 : i32
      %mul3A_394 = arith.muli %add3A_374, %mul3A_393 : i32
      %add3A_395 = arith.addi %mul3A_2, %mul3A_394 : i32
      %dma_start3A_396 = arith.constant 4 : i32
      %dma_start3A_397 = arith.constant 4 : i32
      %dma_start3A_398 = arith.constant 0 : i32
      %dma_start3A_399 = arith.constant 0 : i32
      %dma_start3A_400 = tpu.memref_slice %arg6[%dma_start3A_396, %dma_start3A_398, %dma_start3A_399] : memref<5x32x768xf32, #tpu.memory_space<vmem>> -> memref<1x32x768xf32, #tpu.memory_space<vmem>>
      %dma_start3A_401 = tpu.memref_squeeze %dma_start3A_400 : memref<1x32x768xf32, #tpu.memory_space<vmem>> -> memref<32x768xf32, #tpu.memory_space<vmem>>
      %dma_start3A_402 = arith.constant 0 : i32
      %dma_start3A_403 = tpu.memref_slice %arg4[%add3A_395, %dma_start3A_402] : memref<51200x768xf32, #tpu.memory_space<hbm>> -> memref<32x768xf32, #tpu.memory_space<hbm>>
      %dma_start3A_404 = tpu.memref_slice %arg8[%dma_start3A_397] : memref<5x!tpu.dma_semaphore, #tpu.memory_space<semaphore_mem>> -> memref<1x!tpu.dma_semaphore, #tpu.memory_space<semaphore_mem>>
      %dma_start3A_405 = tpu.memref_squeeze %dma_start3A_404 : memref<1x!tpu.dma_semaphore, #tpu.memory_space<semaphore_mem>> -> memref<!tpu.dma_semaphore, #tpu.memory_space<semaphore_mem>>
      %dma_start3A_406 = arith.constant 0 : i32
      %dma_start3A_407 = tpu.memref_slice %arg4[%add3A_395, %dma_start3A_406] : memref<51200x768xf32, #tpu.memory_space<hbm>> -> memref<32x768xf32, #tpu.memory_space<hbm>>
      %dma_start3A_408 = arith.constant 0 : i32
      %dma_start3A_409 = arith.constant 0 : i32
      %dma_start3A_410 = tpu.memref_slice %arg6[%dma_start3A_396, %dma_start3A_408, %dma_start3A_409] : memref<5x32x768xf32, #tpu.memory_space<vmem>> -> memref<1x32x768xf32, #tpu.memory_space<vmem>>
      %dma_start3A_411 = tpu.memref_squeeze %dma_start3A_410 : memref<1x32x768xf32, #tpu.memory_space<vmem>> -> memref<32x768xf32, #tpu.memory_space<vmem>>
      tpu.enqueue_dma source(%dma_start3A_411 : memref<32x768xf32, #tpu.memory_space<vmem>>) target(%dma_start3A_407 : memref<32x768xf32, #tpu.memory_space<hbm>>) target_semaphore(%dma_start3A_405 : memref<!tpu.dma_semaphore, #tpu.memory_space<semaphore_mem>>)
      %ge3A_412 = arith.constant 2 : i32
      %ge3A_413 = arith.cmpi sge, %add3A_374, %ge3A_412 : i32
      %add3A_414 = arith.constant 3 : i32
      %add3A_415 = arith.addi %add3A_374, %add3A_414 : i32
      %lt3A_416 = arith.constant 50 : i32
      %lt3A_417 = arith.cmpi slt, %add3A_415, %lt3A_416 : i32
      %and3A_418 = arith.andi %ge3A_413, %lt3A_417 : i1
      %convert_element_type3A_419 = arith.extui %and3A_418 : i1 to i32
      %cond3A_420 = arith.constant 0 : i32
      %cond3A_421 = arith.cmpi ne, %convert_element_type3A_419, %cond3A_420 : i32
      scf.if %cond3A_421 {
        %dma_wait3A_422 = arith.constant 2 : i32
        %dma_wait3A_423 = arith.constant 2 : i32
        %dma_wait3A_424 = arith.constant 0 : i32
        %dma_wait3A_425 = arith.constant 0 : i32
        %dma_wait3A_426 = tpu.memref_slice %arg6[%dma_wait3A_422, %dma_wait3A_424, %dma_wait3A_425] : memref<5x32x768xf32, #tpu.memory_space<vmem>> -> memref<1x32x768xf32, #tpu.memory_space<vmem>>
        %dma_wait3A_427 = tpu.memref_squeeze %dma_wait3A_426 : memref<1x32x768xf32, #tpu.memory_space<vmem>> -> memref<32x768xf32, #tpu.memory_space<vmem>>
        %dma_wait3A_428 = arith.constant 0 : i32
        %dma_wait3A_429 = arith.constant 0 : i32
        %dma_wait3A_430 = tpu.memref_slice %arg4[%dma_wait3A_428, %dma_wait3A_429] : memref<51200x768xf32, #tpu.memory_space<hbm>> -> memref<32x768xf32, #tpu.memory_space<hbm>>
        %dma_wait3A_431 = tpu.memref_slice %arg8[%dma_wait3A_423] : memref<5x!tpu.dma_semaphore, #tpu.memory_space<semaphore_mem>> -> memref<1x!tpu.dma_semaphore, #tpu.memory_space<semaphore_mem>>
        %dma_wait3A_432 = tpu.memref_squeeze %dma_wait3A_431 : memref<1x!tpu.dma_semaphore, #tpu.memory_space<semaphore_mem>> -> memref<!tpu.dma_semaphore, #tpu.memory_space<semaphore_mem>>
        %dma_wait3A_433 = arith.constant 0 : i32
        %dma_wait3A_434 = arith.constant 0 : i32
        %dma_wait3A_435 = tpu.memref_slice %arg4[%dma_wait3A_433, %dma_wait3A_434] : memref<51200x768xf32, #tpu.memory_space<hbm>> -> memref<32x768xf32, #tpu.memory_space<hbm>>
        %dma_wait3A_436 = arith.constant 0 : i32
        %dma_wait3A_437 = arith.constant 0 : i32
        %dma_wait3A_438 = tpu.memref_slice %arg6[%dma_wait3A_422, %dma_wait3A_436, %dma_wait3A_437] : memref<5x32x768xf32, #tpu.memory_space<vmem>> -> memref<1x32x768xf32, #tpu.memory_space<vmem>>
        %dma_wait3A_439 = tpu.memref_squeeze %dma_wait3A_438 : memref<1x32x768xf32, #tpu.memory_space<vmem>> -> memref<32x768xf32, #tpu.memory_space<vmem>>
        tpu.wait_dma2 semaphore(%dma_wait3A_432 : memref<!tpu.dma_semaphore, #tpu.memory_space<semaphore_mem>>) src(%dma_wait3A_439 : memref<32x768xf32, #tpu.memory_space<vmem>>) dst(%dma_wait3A_435 : memref<32x768xf32, #tpu.memory_space<hbm>>)
        %add3A_440 = arith.constant 3 : i32
        %add3A_441 = arith.addi %add3A_374, %add3A_440 : i32
        %dma_start3A_442 = arith.constant 2 : i32
        %dma_start3A_443 = arith.constant 2 : i32
        %dma_start3A_444 = arith.constant 0 : i32
        %dma_start3A_445 = arith.constant 0 : i32
        %dma_start3A_446 = tpu.memref_slice %arg6[%dma_start3A_442, %dma_start3A_444, %dma_start3A_445] : memref<5x32x768xf32, #tpu.memory_space<vmem>> -> memref<1x32x768xf32, #tpu.memory_space<vmem>>
        %dma_start3A_447 = tpu.memref_squeeze %dma_start3A_446 : memref<1x32x768xf32, #tpu.memory_space<vmem>> -> memref<32x768xf32, #tpu.memory_space<vmem>>
        %dma_start3A_448 = arith.constant 0 : i32
        %dma_start3A_449 = tpu.memref_slice %arg5[%add3A_441, %dma_start3A_448] : memref<50x32xi32, #tpu.memory_space<vmem>> -> memref<1x32xi32, #tpu.memory_space<vmem>>
        %dma_start3A_450 = tpu.memref_squeeze %dma_start3A_449 : memref<1x32xi32, #tpu.memory_space<vmem>> -> memref<32xi32, #tpu.memory_space<vmem>>
        %dma_start3A_451 = arith.constant 0 : i32
        %dma_start3A_452 = arith.constant 0 : i32
        %dma_start3A_453 = tpu.memref_slice %arg2[%dma_start3A_451, %dma_start3A_452] : memref<30522x768xf32, #tpu.memory_space<hbm>> -> memref<30522x768xf32, #tpu.memory_space<hbm>>
        %dma_start3A_454 = tpu.memref_slice %arg7[%dma_start3A_443] : memref<5x!tpu.dma_semaphore, #tpu.memory_space<semaphore_mem>> -> memref<1x!tpu.dma_semaphore, #tpu.memory_space<semaphore_mem>>
        %dma_start3A_455 = tpu.memref_squeeze %dma_start3A_454 : memref<1x!tpu.dma_semaphore, #tpu.memory_space<semaphore_mem>> -> memref<!tpu.dma_semaphore, #tpu.memory_space<semaphore_mem>>
        tpu.enqueue_indirect_dma source(%dma_start3A_453 : memref<30522x768xf32, #tpu.memory_space<hbm>>) target(%dma_start3A_447 : memref<32x768xf32, #tpu.memory_space<vmem>>) offsets(%dma_start3A_450 : memref<32xi32, #tpu.memory_space<vmem>>) semaphore(%dma_start3A_455 : memref<!tpu.dma_semaphore, #tpu.memory_space<semaphore_mem>>)
      } else {
      }
    }
    %scan3A_81 = arith.constant 10 : i32
    %dma_wait3A = arith.constant 0 : i32
    %dma_wait3A_82 = arith.constant 0 : i32
    %dma_wait3A_83 = arith.constant 0 : i32
    %dma_wait3A_84 = arith.constant 0 : i32
    %dma_wait3A_85 = tpu.memref_slice %arg6[%dma_wait3A, %dma_wait3A_83, %dma_wait3A_84] : memref<5x32x768xf32, #tpu.memory_space<vmem>> -> memref<1x32x768xf32, #tpu.memory_space<vmem>>
    %dma_wait3A_86 = tpu.memref_squeeze %dma_wait3A_85 : memref<1x32x768xf32, #tpu.memory_space<vmem>> -> memref<32x768xf32, #tpu.memory_space<vmem>>
    %dma_wait3A_87 = arith.constant 0 : i32
    %dma_wait3A_88 = arith.constant 0 : i32
    %dma_wait3A_89 = tpu.memref_slice %arg4[%dma_wait3A_87, %dma_wait3A_88] : memref<51200x768xf32, #tpu.memory_space<hbm>> -> memref<32x768xf32, #tpu.memory_space<hbm>>
    %dma_wait3A_90 = tpu.memref_slice %arg8[%dma_wait3A_82] : memref<5x!tpu.dma_semaphore, #tpu.memory_space<semaphore_mem>> -> memref<1x!tpu.dma_semaphore, #tpu.memory_space<semaphore_mem>>
    %dma_wait3A_91 = tpu.memref_squeeze %dma_wait3A_90 : memref<1x!tpu.dma_semaphore, #tpu.memory_space<semaphore_mem>> -> memref<!tpu.dma_semaphore, #tpu.memory_space<semaphore_mem>>
    %dma_wait3A_92 = arith.constant 0 : i32
    %dma_wait3A_93 = arith.constant 0 : i32
    %dma_wait3A_94 = tpu.memref_slice %arg4[%dma_wait3A_92, %dma_wait3A_93] : memref<51200x768xf32, #tpu.memory_space<hbm>> -> memref<32x768xf32, #tpu.memory_space<hbm>>
    %dma_wait3A_95 = arith.constant 0 : i32
    %dma_wait3A_96 = arith.constant 0 : i32
    %dma_wait3A_97 = tpu.memref_slice %arg6[%dma_wait3A, %dma_wait3A_95, %dma_wait3A_96] : memref<5x32x768xf32, #tpu.memory_space<vmem>> -> memref<1x32x768xf32, #tpu.memory_space<vmem>>
    %dma_wait3A_98 = tpu.memref_squeeze %dma_wait3A_97 : memref<1x32x768xf32, #tpu.memory_space<vmem>> -> memref<32x768xf32, #tpu.memory_space<vmem>>
    tpu.wait_dma2 semaphore(%dma_wait3A_91 : memref<!tpu.dma_semaphore, #tpu.memory_space<semaphore_mem>>) src(%dma_wait3A_98 : memref<32x768xf32, #tpu.memory_space<vmem>>) dst(%dma_wait3A_94 : memref<32x768xf32, #tpu.memory_space<hbm>>)
    %dma_wait3A_99 = arith.constant 1 : i32
    %dma_wait3A_100 = arith.constant 1 : i32
    %dma_wait3A_101 = arith.constant 0 : i32
    %dma_wait3A_102 = arith.constant 0 : i32
    %dma_wait3A_103 = tpu.memref_slice %arg6[%dma_wait3A_99, %dma_wait3A_101, %dma_wait3A_102] : memref<5x32x768xf32, #tpu.memory_space<vmem>> -> memref<1x32x768xf32, #tpu.memory_space<vmem>>
    %dma_wait3A_104 = tpu.memref_squeeze %dma_wait3A_103 : memref<1x32x768xf32, #tpu.memory_space<vmem>> -> memref<32x768xf32, #tpu.memory_space<vmem>>
    %dma_wait3A_105 = arith.constant 0 : i32
    %dma_wait3A_106 = arith.constant 0 : i32
    %dma_wait3A_107 = tpu.memref_slice %arg4[%dma_wait3A_105, %dma_wait3A_106] : memref<51200x768xf32, #tpu.memory_space<hbm>> -> memref<32x768xf32, #tpu.memory_space<hbm>>
    %dma_wait3A_108 = tpu.memref_slice %arg8[%dma_wait3A_100] : memref<5x!tpu.dma_semaphore, #tpu.memory_space<semaphore_mem>> -> memref<1x!tpu.dma_semaphore, #tpu.memory_space<semaphore_mem>>
    %dma_wait3A_109 = tpu.memref_squeeze %dma_wait3A_108 : memref<1x!tpu.dma_semaphore, #tpu.memory_space<semaphore_mem>> -> memref<!tpu.dma_semaphore, #tpu.memory_space<semaphore_mem>>
    %dma_wait3A_110 = arith.constant 0 : i32
    %dma_wait3A_111 = arith.constant 0 : i32
    %dma_wait3A_112 = tpu.memref_slice %arg4[%dma_wait3A_110, %dma_wait3A_111] : memref<51200x768xf32, #tpu.memory_space<hbm>> -> memref<32x768xf32, #tpu.memory_space<hbm>>
    %dma_wait3A_113 = arith.constant 0 : i32
    %dma_wait3A_114 = arith.constant 0 : i32
    %dma_wait3A_115 = tpu.memref_slice %arg6[%dma_wait3A_99, %dma_wait3A_113, %dma_wait3A_114] : memref<5x32x768xf32, #tpu.memory_space<vmem>> -> memref<1x32x768xf32, #tpu.memory_space<vmem>>
    %dma_wait3A_116 = tpu.memref_squeeze %dma_wait3A_115 : memref<1x32x768xf32, #tpu.memory_space<vmem>> -> memref<32x768xf32, #tpu.memory_space<vmem>>
    tpu.wait_dma2 semaphore(%dma_wait3A_109 : memref<!tpu.dma_semaphore, #tpu.memory_space<semaphore_mem>>) src(%dma_wait3A_116 : memref<32x768xf32, #tpu.memory_space<vmem>>) dst(%dma_wait3A_112 : memref<32x768xf32, #tpu.memory_space<hbm>>)
    %dma_wait3A_117 = arith.constant 2 : i32
    %dma_wait3A_118 = arith.constant 2 : i32
    %dma_wait3A_119 = arith.constant 0 : i32
    %dma_wait3A_120 = arith.constant 0 : i32
    %dma_wait3A_121 = tpu.memref_slice %arg6[%dma_wait3A_117, %dma_wait3A_119, %dma_wait3A_120] : memref<5x32x768xf32, #tpu.memory_space<vmem>> -> memref<1x32x768xf32, #tpu.memory_space<vmem>>
    %dma_wait3A_122 = tpu.memref_squeeze %dma_wait3A_121 : memref<1x32x768xf32, #tpu.memory_space<vmem>> -> memref<32x768xf32, #tpu.memory_space<vmem>>
    %dma_wait3A_123 = arith.constant 0 : i32
    %dma_wait3A_124 = arith.constant 0 : i32
    %dma_wait3A_125 = tpu.memref_slice %arg4[%dma_wait3A_123, %dma_wait3A_124] : memref<51200x768xf32, #tpu.memory_space<hbm>> -> memref<32x768xf32, #tpu.memory_space<hbm>>
    %dma_wait3A_126 = tpu.memref_slice %arg8[%dma_wait3A_118] : memref<5x!tpu.dma_semaphore, #tpu.memory_space<semaphore_mem>> -> memref<1x!tpu.dma_semaphore, #tpu.memory_space<semaphore_mem>>
    %dma_wait3A_127 = tpu.memref_squeeze %dma_wait3A_126 : memref<1x!tpu.dma_semaphore, #tpu.memory_space<semaphore_mem>> -> memref<!tpu.dma_semaphore, #tpu.memory_space<semaphore_mem>>
    %dma_wait3A_128 = arith.constant 0 : i32
    %dma_wait3A_129 = arith.constant 0 : i32
    %dma_wait3A_130 = tpu.memref_slice %arg4[%dma_wait3A_128, %dma_wait3A_129] : memref<51200x768xf32, #tpu.memory_space<hbm>> -> memref<32x768xf32, #tpu.memory_space<hbm>>
    %dma_wait3A_131 = arith.constant 0 : i32
    %dma_wait3A_132 = arith.constant 0 : i32
    %dma_wait3A_133 = tpu.memref_slice %arg6[%dma_wait3A_117, %dma_wait3A_131, %dma_wait3A_132] : memref<5x32x768xf32, #tpu.memory_space<vmem>> -> memref<1x32x768xf32, #tpu.memory_space<vmem>>
    %dma_wait3A_134 = tpu.memref_squeeze %dma_wait3A_133 : memref<1x32x768xf32, #tpu.memory_space<vmem>> -> memref<32x768xf32, #tpu.memory_space<vmem>>
    tpu.wait_dma2 semaphore(%dma_wait3A_127 : memref<!tpu.dma_semaphore, #tpu.memory_space<semaphore_mem>>) src(%dma_wait3A_134 : memref<32x768xf32, #tpu.memory_space<vmem>>) dst(%dma_wait3A_130 : memref<32x768xf32, #tpu.memory_space<hbm>>)
    %dma_wait3A_135 = arith.constant 3 : i32
    %dma_wait3A_136 = arith.constant 3 : i32
    %dma_wait3A_137 = arith.constant 0 : i32
    %dma_wait3A_138 = arith.constant 0 : i32
    %dma_wait3A_139 = tpu.memref_slice %arg6[%dma_wait3A_135, %dma_wait3A_137, %dma_wait3A_138] : memref<5x32x768xf32, #tpu.memory_space<vmem>> -> memref<1x32x768xf32, #tpu.memory_space<vmem>>
    %dma_wait3A_140 = tpu.memref_squeeze %dma_wait3A_139 : memref<1x32x768xf32, #tpu.memory_space<vmem>> -> memref<32x768xf32, #tpu.memory_space<vmem>>
    %dma_wait3A_141 = arith.constant 0 : i32
    %dma_wait3A_142 = arith.constant 0 : i32
    %dma_wait3A_143 = tpu.memref_slice %arg4[%dma_wait3A_141, %dma_wait3A_142] : memref<51200x768xf32, #tpu.memory_space<hbm>> -> memref<32x768xf32, #tpu.memory_space<hbm>>
    %dma_wait3A_144 = tpu.memref_slice %arg8[%dma_wait3A_136] : memref<5x!tpu.dma_semaphore, #tpu.memory_space<semaphore_mem>> -> memref<1x!tpu.dma_semaphore, #tpu.memory_space<semaphore_mem>>
    %dma_wait3A_145 = tpu.memref_squeeze %dma_wait3A_144 : memref<1x!tpu.dma_semaphore, #tpu.memory_space<semaphore_mem>> -> memref<!tpu.dma_semaphore, #tpu.memory_space<semaphore_mem>>
    %dma_wait3A_146 = arith.constant 0 : i32
    %dma_wait3A_147 = arith.constant 0 : i32
    %dma_wait3A_148 = tpu.memref_slice %arg4[%dma_wait3A_146, %dma_wait3A_147] : memref<51200x768xf32, #tpu.memory_space<hbm>> -> memref<32x768xf32, #tpu.memory_space<hbm>>
    %dma_wait3A_149 = arith.constant 0 : i32
    %dma_wait3A_150 = arith.constant 0 : i32
    %dma_wait3A_151 = tpu.memref_slice %arg6[%dma_wait3A_135, %dma_wait3A_149, %dma_wait3A_150] : memref<5x32x768xf32, #tpu.memory_space<vmem>> -> memref<1x32x768xf32, #tpu.memory_space<vmem>>
    %dma_wait3A_152 = tpu.memref_squeeze %dma_wait3A_151 : memref<1x32x768xf32, #tpu.memory_space<vmem>> -> memref<32x768xf32, #tpu.memory_space<vmem>>
    tpu.wait_dma2 semaphore(%dma_wait3A_145 : memref<!tpu.dma_semaphore, #tpu.memory_space<semaphore_mem>>) src(%dma_wait3A_152 : memref<32x768xf32, #tpu.memory_space<vmem>>) dst(%dma_wait3A_148 : memref<32x768xf32, #tpu.memory_space<hbm>>)
    %dma_wait3A_153 = arith.constant 4 : i32
    %dma_wait3A_154 = arith.constant 4 : i32
    %dma_wait3A_155 = arith.constant 0 : i32
    %dma_wait3A_156 = arith.constant 0 : i32
    %dma_wait3A_157 = tpu.memref_slice %arg6[%dma_wait3A_153, %dma_wait3A_155, %dma_wait3A_156] : memref<5x32x768xf32, #tpu.memory_space<vmem>> -> memref<1x32x768xf32, #tpu.memory_space<vmem>>
    %dma_wait3A_158 = tpu.memref_squeeze %dma_wait3A_157 : memref<1x32x768xf32, #tpu.memory_space<vmem>> -> memref<32x768xf32, #tpu.memory_space<vmem>>
    %dma_wait3A_159 = arith.constant 0 : i32
    %dma_wait3A_160 = arith.constant 0 : i32
    %dma_wait3A_161 = tpu.memref_slice %arg4[%dma_wait3A_159, %dma_wait3A_160] : memref<51200x768xf32, #tpu.memory_space<hbm>> -> memref<32x768xf32, #tpu.memory_space<hbm>>
    %dma_wait3A_162 = tpu.memref_slice %arg8[%dma_wait3A_154] : memref<5x!tpu.dma_semaphore, #tpu.memory_space<semaphore_mem>> -> memref<1x!tpu.dma_semaphore, #tpu.memory_space<semaphore_mem>>
    %dma_wait3A_163 = tpu.memref_squeeze %dma_wait3A_162 : memref<1x!tpu.dma_semaphore, #tpu.memory_space<semaphore_mem>> -> memref<!tpu.dma_semaphore, #tpu.memory_space<semaphore_mem>>
    %dma_wait3A_164 = arith.constant 0 : i32
    %dma_wait3A_165 = arith.constant 0 : i32
    %dma_wait3A_166 = tpu.memref_slice %arg4[%dma_wait3A_164, %dma_wait3A_165] : memref<51200x768xf32, #tpu.memory_space<hbm>> -> memref<32x768xf32, #tpu.memory_space<hbm>>
    %dma_wait3A_167 = arith.constant 0 : i32
    %dma_wait3A_168 = arith.constant 0 : i32
    %dma_wait3A_169 = tpu.memref_slice %arg6[%dma_wait3A_153, %dma_wait3A_167, %dma_wait3A_168] : memref<5x32x768xf32, #tpu.memory_space<vmem>> -> memref<1x32x768xf32, #tpu.memory_space<vmem>>
    %dma_wait3A_170 = tpu.memref_squeeze %dma_wait3A_169 : memref<1x32x768xf32, #tpu.memory_space<vmem>> -> memref<32x768xf32, #tpu.memory_space<vmem>>
    tpu.wait_dma2 semaphore(%dma_wait3A_163 : memref<!tpu.dma_semaphore, #tpu.memory_space<semaphore_mem>>) src(%dma_wait3A_170 : memref<32x768xf32, #tpu.memory_space<vmem>>) dst(%dma_wait3A_166 : memref<32x768xf32, #tpu.memory_space<hbm>>)
    return
  }
}

</mosaic_0001>

<sc_bundles>
// kernel: kernel.3.cloned.1.call-start
scs
__scs_entry_jumppad:
0x0: {  	(pc) =	sbr.rel $0x88, $3  }
0x1: {  	(tag) =	ssettag $0x0;
	lr =	simm.s32 $0x1  }
0x2: {  	[smem:$0x3F9F] =	sst lr;
	_ =	strace $0xD0000000  }
0x3: {  	_ = 	snop  }
0x4: {  	_ = 	snop  }
0x5: {  	_ = 	snop  }
0x6: {  	_ = 	snop  }
0x7: {  	_ = 	snop  }
__scs_overlays_trampoline_lowered:
0x8: {  	[smem:$0x3FAE] =	sst s0  }
0x9: {  	[smem:$0x3FAF] =	sst s1  }
0xa: {  	[smem:$0x3FB0] =	sst s2  }
0xb: {  	[smem:$0x3FB1] =	sst s3  }
0xc: {  	[smem:$0x3FB2] =	sst s4  }
0xd: {  	[smem:$0x3FB3] =	sst s5  }
0xe: {  	[smem:$0x3FB4] =	sst s6  }
0xf: {  	[smem:$0x3FB5] =	sst s7  }
0x10: {  	[smem:$0x3FB6] =	sst s8  }
0x11: {  	[smem:$0x3FB7] =	sst s9;
	s0 =	simm.s32 @!p0 $0x0  }
0x12: {  	s1 =	sld [smem:$0x3F9D];
	s0 =	simm.s32 @p0 $0x1  }
0x13: {  	[smem:$0x3FB8] =	sst s0;
	s0 =	simm.s32 @!p1 $0x0  }
0x14: {  	s2 =	sld [smem:$0x3F9C];
	s0 =	simm.s32 @p1 $0x1  }
0x15: {  	[smem:$0x3FB9] =	sst s0;
	s0 =	simm.s32 @!p2 $0x0  }
0x16: {  	s3 =	sld [smem:$0x3FDB];
	s0 =	simm.s32 @p2 $0x1  }
0x17: {  	s4 =	simm.s32 $0x1BF5;
	[smem:$0x3FBB] =	sst s0  }
0x18: {  	s0 =	sld [smem:$0x3F9E];
	_ =	swait.ge [sflag:s4], $0x0  }
0x19: {  	s7 =	sld [smem:$0x3F9F]  }
0x1a: {  	s8 =	sadd.s32 $0xFFFFE003, lr  }
0x1b: {  	s9 =	sadd.s32 $0xFFFFFEF7, lr;
	s5 =	simm.s32 $0xFFFFFFFF;
	p2 =	slt.u32 s8, $0xFFFFF086  }
0x1c: {  	p1 =	slt.u32 s9, $0xF7A;
	s5 =	simm.s32 @!p2 $0x0  }
0x1d: {  	s5 =	simm.s32 @p1 $0x1;
	p0 =	seq.s32 s7, s2  }
0x1e: {  	s7 =	smul.u32 @!p0 $0xF7A, s2;
	p2 =	seq.s32 @!p0 s5, $0x0  }
0x1f: {  	s9 =	smul.u32 $0xF7A, s1;
	s8 =	simm.s32 @!p0 $0x1BF5;
	p2 =	por !p2, p0  }
0x20: {  	[sflag:s8] =	ssyncset.s32 @!p0 $0xFFFFF086;
	s6 =	sadd.s32 @!p0 s3, s7;
	s7 =	simm.s32 @!p0 $0x108  }
0x21: {  	s3 =	sadd.s32 s3, s9;
	s6 =	sadd.s32 @!p0 $0x88, s6;
	s7 =	simm.s32 @p2 $0x1082  }
0x22: {  	[simem:s7], [sflag:s8] =	dma.local @!p0 [hbm:s6], $0xF7A  }
0x23: {  	s9 =	sor.u32 $0xD0000000, s2;
	s6 =	simm.s32 $0x108;
	_ =	swait.ge @!p0 [sflag:s8], $0x0  }
0x24: {  	s3 =	sadd.s32 $0x88, s3;
	s6 =	simm.s32 @!p1 $0x1082;
	[sflag:s4] =	ssyncset.s32 $0xFFFFF086  }
0x25: {  	[simem:s6], [sflag:s4] =	dma.local [hbm:s3], $0xF7A  }
0x26: {  	[smem:$0x3F9F] =	sst s1;
	(tag) =	ssettag s2;
	_ =	strace s9  }
0x27: {  	s1 =	sld [smem:$0x3FAF]  }
0x28: {  	s2 =	sld [smem:$0x3FB0]  }
0x29: {  	s4 =	sld [smem:$0x3FB2]  }
0x2a: {  	p0 =	seq.s32 s5, $0x0;
	s5 =	sld [smem:$0x3FB3]  }
0x2b: {  	s6 =	sld [smem:$0x3FB4]  }
0x2c: {  	s7 =	sld [smem:$0x3FB5]  }
0x2d: {  	s3 =	simm.s32 $0x108;
	s8 =	sld [smem:$0x3FB6]  }
0x2e: {  	s3 =	simm.s32 @!p0 $0x1082;
	s9 =	sld [smem:$0x3FB7]  }
0x2f: {  	lr =	sadd.s32 s0, s3;
	s0 =	sld [smem:$0x3FAE]  }
0x30: {  	s3 =	sld [smem:$0x3FB1]  }
0x31: {  	[smem:$0x3FBA] =	sst s10  }
0x32: {  	s10 =	sld [smem:$0x3FB8];
	_ =	sdelay $0x3  }
0x33: {  	p0 =	seq.s32 s10, $0x1;
	s10 =	sld [smem:$0x3FBA];
	_ =	sdelay $0x3  }
0x34: {  	[smem:$0x3FBA] =	sst s10  }
0x35: {  	s10 =	sld [smem:$0x3FB9];
	_ =	sdelay $0x3  }
0x36: {  	p1 =	seq.s32 s10, $0x1;
	s10 =	sld [smem:$0x3FBA];
	_ =	sdelay $0x3  }
0x37: {  	[smem:$0x3FBA] =	sst s10  }
0x38: {  	s10 =	sld [smem:$0x3FBB]  }
0x39: {  	_ = 	snop;
	(pc) =	sbr.ind lr, $3  }
0x3a: {  	_ = 	snop  }
0x3b: {  	_ = 	snop  }
0x3c: {  	p2 =	seq.s32 s10, $0x1;
	s10 =	sld [smem:$0x3FBA]  }
0x3d: {  	_ =	shalt  }
0x3e: {  	_ =	shalt  }
0x3f: {  	_ =	shalt  }
0x40: {  	_ =	shalt  }
0x41: {  	_ =	shalt  }
0x42: {  	_ =	shalt  }
0x43: {  	_ =	shalt  }
0x44: {  	_ =	shalt  }
0x45: {  	_ =	shalt  }
0x46: {  	_ =	shalt  }
0x47: {  	_ =	shalt  }
0x48: {  	_ =	shalt  }
0x49: {  	_ =	shalt  }
0x4a: {  	_ =	shalt  }
0x4b: {  	_ =	shalt  }
0x4c: {  	_ =	shalt  }
0x4d: {  	_ =	shalt  }
0x4e: {  	_ =	shalt  }
0x4f: {  	_ =	shalt  }
0x50: {  	_ =	shalt  }
0x51: {  	_ =	shalt  }
0x52: {  	_ =	shalt  }
0x53: {  	_ =	shalt  }
0x54: {  	_ =	shalt  }
0x55: {  	_ =	shalt  }
0x56: {  	_ =	shalt  }
0x57: {  	_ =	shalt  }
0x58: {  	_ =	shalt  }
0x59: {  	_ =	shalt  }
0x5a: {  	_ =	shalt  }
0x5b: {  	_ =	shalt  }
0x5c: {  	_ =	shalt  }
0x5d: {  	_ =	shalt  }
0x5e: {  	_ =	shalt  }
0x5f: {  	_ =	shalt  }
0x60: {  	_ =	shalt  }
0x61: {  	_ =	shalt  }
0x62: {  	_ =	shalt  }
0x63: {  	_ =	shalt  }
0x64: {  	_ =	shalt  }
0x65: {  	_ =	shalt  }
0x66: {  	_ =	shalt  }
0x67: {  	_ =	shalt  }
0x68: {  	_ =	shalt  }
0x69: {  	_ =	shalt  }
0x6a: {  	_ =	shalt  }
0x6b: {  	_ =	shalt  }
0x6c: {  	_ =	shalt  }
0x6d: {  	_ =	shalt  }
0x6e: {  	_ =	shalt  }
0x6f: {  	_ =	shalt  }
0x70: {  	_ =	shalt  }
0x71: {  	_ =	shalt  }
0x72: {  	_ =	shalt  }
0x73: {  	_ =	shalt  }
0x74: {  	_ =	shalt  }
0x75: {  	_ =	shalt  }
0x76: {  	_ =	shalt  }
0x77: {  	_ =	shalt  }
0x78: {  	_ =	shalt  }
0x79: {  	_ =	shalt  }
0x7a: {  	_ =	shalt  }
0x7b: {  	_ =	shalt  }
0x7c: {  	_ =	shalt  }
0x7d: {  	_ =	shalt  }
0x7e: {  	_ =	shalt  }
0x7f: {  	_ =	shalt  }
0x80: {  	_ =	shalt  }
0x81: {  	_ =	shalt  }
0x82: {  	_ =	shalt  }
0x83: {  	_ =	shalt  }
0x84: {  	_ =	shalt  }
0x85: {  	_ =	shalt  }
0x86: {  	_ =	shalt  }
0x87: {  	_ =	shalt  }
.Lfunc_end0:
.L_simem_size_0:
called_computation_lowered:
.L_overlay_start_0:
0x88: {  	s2 =	sld [smem:$0x3FD9]  }
0x89: {  	s3 =	sld [smem:$0x3FFE];
	_ =	sdelay $0x1  }
0x8a: {  	s1 =	srdreg.scid  }
0x8b: {  	s0 =	sand.u32 $0x1, s1  }
0x8c: {  	s17 =	sshll.u32 s0, $0xA;
	s2 =	sadd.s32 s3, s2  }
0x8d: {  	s2 =	sadd.s32 s2, s17  }
0x8e: {  	[smem:$0x3FC6] =	sst s2  }
0x8f: {  	_ = 	snop  }
0x90: {  	s2 =	sld [smem:$0x3FC8]  }
0x91: {  	s18 =	sld [smem:$0x3FD0];
	(tm) =	ssettm $0x1  }
0x92: {  	s4 =	sld [smem:$0x3FFB];
	_ =	sdelay $0x3  }
0x93: {  	_ =	strace s4  }
0x94: {  	s4 =	sld [smem:$0x3FFC];
	_ =	sdelay $0x3  }
0x95: {  	_ =	strace s4  }
0x96: {  	s4 =	sld [smem:$0x3FFD];
	_ =	sdelay $0x3  }
0x97: {  	_ =	strace s4  }
0x98: {  	_ =	strace $0x8FFFFFFF  }
0x99: {  	s19 =	sld [smem:$0x3FDB];
	_ =	sdelay $0x1  }
0x9a: {  	s5 =	simm.s32 $_scs_section_size  }
0x9b: {  	s6 =	simm.s32 $_size__tile_overlayer_lowered;
	s7 =	simm.s32 $_tile_overlayer_lowered  }
0x9c: {  	s22 =	simm.s32 $0x1BFF;
	s21 =	sshll.u32 s7, $0x1;
	s4 =	sadd.s32 s5, s19  }
0x9d: {  	s8 =	simm.s32 $0x0;
	s20 =	sshll.u32 s6, $0x1;
	s6 =	sadd.s32 s21, s4  }
0x9e: {  	[timem:s8], [sflag:s22] =	dma.local [hbm:s6], s20  }
0x9f: {  	_ =	swait.ge [sflag:s22], s20  }
0xa0: {  	s5 =	ssub.s32 $0x0, s20;
	[sflag:s22] =	ssyncset.done $0x0  }
0xa1: {  	[sflag:s22] =	ssyncadd.s32 s5;
	_ =	sdelay $0x1  }
0xa2: {  	s23 =	simm.s32 $0x1B8B  }
0xa3: {  	_ =	swait.ge [sflag:s23], $0x1  }
0xa4: {  	[sflag:s23] =	ssyncset.done $0x0  }
0xa5: {  	s25 =	simm.s32 $0x1B8E;
	s24 =	sld [smem:$0x3FFE];
	[sflag:s23] =	ssyncadd.s32 $0xFFFFFFFF  }
0xa6: {  	s26 =	simm.s32 $execute0_lowered;
	[smem:$0x3FD2] =	sst s25  }
0xa7: {  	s6 =	sshll.u32 s26, $0x1;
	_ =	strace $0x80000046;
	[dreg:$0x1] =	wrdreg $0xFFFFFFFF  }
0xa8: {  	s28 =	simm.s32 $_size_execute0_lowered;
	s4 =	sadd.s32 s4, s6;
	[dreg:$0x0] =	wrdreg $0x0  }
0xa9: {  	s6 =	sshll.u32 s28, $0x1;
	[dreg:$0x2] =	wrdreg s4  }
0xaa: {  	[dreg:$0x3] =	wrdreg s6  }
0xab: {  	[dreg:$0x4] =	wrdreg $0xC0  }
0xac: {  	_ =	task [dreg:s8], $0x5FFFF  }
0xad: {  	[dreg:$0x1] =	wrdreg $0xFFFFFFFF  }
0xae: {  	[dreg:$0x0] =	wrdreg $0x60  }
0xaf: {  	[dreg:$0x2] =	wrdreg s2  }
0xb0: {  	[dreg:$0x3] =	wrdreg s24  }
0xb1: {  	[dreg:$0x4] =	wrdreg s18  }
0xb2: {  	[dreg:$0x5] =	wrdreg $0x9  }
0xb3: {  	_ =	task.clear_ibuf [dreg:s8], $0x6FFFF;
	_ =	strace $0x90000046  }
0xb4: {  	s29 =	simm.s32 $0x9;
	_ =	strace $0x80000048  }
0xb5: {  	_ =	swait.ge [sflag:s29], $0x1  }
0xb6: {  	[sflag:s29] =	ssyncadd.s32 $0xFFFFFFFF  }
0xb7: {  	_ =	strace $0x90000048  }
0xb8: {  	_ =	sfence  }
0xb9: {  	s30 =	sld [smem:$0x0];
	_ =	sdelay $0x2  }
0xba: {  	s31 =	sshll.u32 s1, $0xD;
	s1 =	sshrl.u32 s1, $0x2  }
0xbb: {  	s3 =	sand.u32 $0x4000, s31;
	s1 =	sadd.s32 s1, s30  }
0xbc: {  	s0 =	sor.u32 s3, s0;
	s1 =	sshll.u32 s1, $0x11  }
0xbd: {  	s0 =	sor.u32 s1, s0  }
0xbe: {  	s0 =	sadd.s32 $0x8F2B, s0  }
0xbf: {  	[sflag:s0] =	ssyncadd.remote.s32 $0x1  }
0xc0: {  	_ =	sfence.sel $0xFFFF  }
0xc1: {  	[dreg:$0x0] =	wrdreg $0xFFFFFFFF;
	(pc) =	sbr.abs _section_cstart, $3  }
0xc2: {  	[dreg:$0x1] =	wrdreg $0xFFFFFFFF  }
0xc3: {  	_ =	task.clear_ibuf [dreg:s8], $0x2FFFF;
	_ =	strace $0x9FFFFFFF  }
0xc4: {  	(tm) =	ssettm $0x7FFFFFFF  }
0xc5: {  	_ =	shalt  }
tec
execute0_lowered:
.L_overlay_start_1:
0x0: {  	(tag) =	ssettag $0x1  }
0x1: {  	s1 =	rddreg [dreg:$0x0]  }
0x2: {  	s0 =	rddreg [dreg:$0x1]  }
0x3: {  	s2 =	rddreg [dreg:$0x2];
	s3 =	srdreg.scid  }
0x4: {  	s6 =	stileid.u32;
	s28 =	simm.s32 $0x10C00;
	s29 =	simm.s32 $0x11400  }
0x5: {  	s30 =	simm.s32 $0x11C00;
	s31 =	simm.s32 $0x12400;
	s15 =	simm.s32 $0x13C00  }
0x6: {  	s16 =	simm.s32 $0x2;
	s17 =	simm.s32 $0x3;
	s13 =	simm.s32 $0x8  }
0x7: {  	s4 =	sand.u32 $0x1, s3;
	s5 =	sshll.u32 s6, $0x1;
	s6 =	smul.u32 $0xC80, s6  }
0x8: {  	s3 =	simm.s32 $0x0;
	s5 =	sor.u32 s4, s5;
	s7 =	smul.u32 $0x640, s4  }
0x9: {  	[smem:$0x7FF] =	sst s3;
	s4 =	ssub.s32 $0x2, s4;
	s5 =	smul.u32 $0x380, s5  }
0xa: {  	_ =	strace $0x80000047;
	s19 =	sshrl.u32 s4, $0x1;
	s6 =	sadd.s32 s7, s6  }
0xb: {  	s4 =	ssub.s32 s4, s19;
	s19 =	simm.s32 $0x19C00;
	s7 =	simm.s32 $0x5  }
0xc: {  	s0 =	sadd.s32 s5, s0;
	s18 =	sadd.s32 $0x60, s6;
	s8 =	sadd.s32 $0x80, s6  }
0xd: {  	s22 =	sshrl.u32 s6, $0x3;
	s23 =	sadd.s32 $0x40, s6;
	s6 =	sor.u32 $0x20, s6  }
0xe: {  	s4 =	smax.u32 s4, $0x1;
	s5 =	sshrl.u32 s18, $0x3;
	s21 =	sshrl.u32 s8, $0x3  }
0xf: {  	s10 =	smul.u32 $0x300, s22;
	s24 =	sshrl.u32 s23, $0x3;
	s0 =	sadd.s32 $0x400, s0  }
0x10: {  	s26 =	sshrl.u32 s6, $0x3;
	s6 =	sadd.s32 $0x200, s1;
	s20 =	smul.u32 $0x300, s5  }
0x11: {  	[dreg:$0x5] =	wrdreg s4;
	s18 =	simm.s32 $0x1;
	s9 =	smul.u32 $0x300, s21  }
0x12: {  	s4 =	simm.s32 $0x4;
	s22 =	simm.s32 $0x0;
	s25 =	smul.u32 $0x300, s24  }
.Ltmp0:
0x13: {  	[dreg:$0x4] =	wrdreg s0;
	s5 =	sadd.s32 $0x100, s1;
	(pc) =	sbr.rel .LBB2_1-.Ltmp0, $4  }
0x14: {  	s12 =	smul.u32 $0x300, s26;
	s26 =	simm.s32 $0x7C00;
	s24 =	simm.s32 $0xFC00  }
0x15: {  	v2 =	vlaneseq.u32;
	s0 =	simm.s32 $0x12C00;
	s10 =	sadd.s32 s10, s2;
	s8 =	sadd.s32 s20, s2  }
0x16: {  	vm0 =	vmmov $0xffff;
	v1 =	vshrl.u32 v2, $0x3;
	s9 =	sadd.s32 s9, s2;
	s11 =	sadd.s32 s25, s2;
	s12 =	sadd.s32 s12, s2  }
0x17: {  	v0 =	vand.u32 $0x7, v2;
	v2 =	vor.u32 $0x8, v2;
	v1 =	vmul.u32 $0x8, v1;
	s20 =	simm.s32 $0xDC00;
	s25 =	simm.s32 $0x10400;
	s2 =	simm.s32 $0x13400  }
.LBB2_4:
0x18: {  	s14 =	simm.s32 $0x6  }
0x19: {  	_ =	swait.ge [sflag:s14], $0x6000  }
0x1a: {  	[sflag:s14] =	ssyncset.done $0x0  }
0x1b: {  	s21 =	simm.s32 $0x7;
	[sflag:s14] =	ssyncadd.s32 $0xFFFFA000  }
0x1c: {  	_ =	swait.ge [sflag:s21], $0x6000  }
0x1d: {  	[sflag:s21] =	ssyncset.done $0x0  }
0x1e: {  	[sflag:s21] =	ssyncadd.s32 $0xFFFFA000  }
0x1f: {  	_ =	swait.ge [sflag:s13], $0x6000  }
0x20: {  	[sflag:s13] =	ssyncset.done $0x0  }
0x21: {  	s22 =	simm.s32 $0x9;
	[sflag:s13] =	ssyncadd.s32 $0xFFFFA000  }
0x22: {  	_ =	swait.ge [sflag:s22], $0x6000  }
0x23: {  	[sflag:s22] =	ssyncset.done $0x0  }
0x24: {  	s21 =	simm.s32 $0xA;
	[sflag:s22] =	ssyncadd.s32 $0xFFFFA000  }
0x25: {  	_ =	swait.ge [sflag:s21], $0x6000  }
0x26: {  	s22 =	rddreg [dreg:$0x6]  }
0x27: {  	s23 =	rddreg [dreg:$0x5];
	s22 =	sadd.s32 $0x1, s22  }
0x28: {  	p0 =	sne.s32 s22, s23  }
.Ltmp1:
0x29: {  	_ = 	snop;
	(pc) =	sbr.rel @!p0 .LBB2_5-.Ltmp1, $3  }
0x2a: {  	_ =	sdelay $0x1  }
0x2b: {  	[sflag:s21] =	ssyncset.done $0x0  }
0x2c: {  	[sflag:s21] =	ssyncadd.s32 $0xFFFFA000  }
.LBB2_1:
0x2d: {  	[dreg:$0x6] =	wrdreg s22  }
0x2e: {  	s14 =	rddreg [dreg:$0x4];
	s23 =	simm.s32 $0xB  }
0x2f: {  	[tilespmem:s3], [sflag:$0xB] =	stream.linear.gather [hbm4b:s14+s3], $0x1900, $0x38;
	[tilespmem:$0x1FC00] =	vst v63  }
0x30: {  	_ =	swait.ge [sflag:s23], $0x1900  }
0x31: {  	[sflag:s23] =	ssyncset.done $0x0  }
0x32: {  	[sflag:s23] =	ssyncadd.s32 $0xFFFFE700  }
0x33: {  	v3 =	vld [tilespmem:$0x0];
	_ =	sdelay $0x4  }
0x34: {  	v4 =	vshrl.u32 v3, $0x3  }
0x35: {  	v4 =	vmul.u32 $0x30, v4  }
0x36: {  	v3 =	vand.u32 $0x7, v3  }
0x37: {  	v3 =	vor.u32 v3, v4  }
0x38: {  	v4 =	vperm.xlane v3, v0;
	_ =	sdelay $0x1  }
0x39: {  	v4 =	vadd.s32 v1, v4;
	_ =	sdelay $0x3  }
0x3a: {  	s21 =	simm.s32 $0x1C00;
	v3 =	vperm.xlane v3, v2  }
0x3b: {  	[tilespmem:s21], [sflag:$0x1] =	stream.indirect_vreg.gather [hbm4b:s1+s3], $0x80, v4, vm0, $0xb8;
	[tilespmem:$0x1FC00] =	vst v63  }
0x3c: {  	s22 =	simm.s32 $0x2400;
	v3 =	vadd.s32 v1, v3  }
0x3d: {  	[tilespmem:s22], [sflag:$0x1] =	stream.indirect_vreg.gather [hbm4b:s5+s3], $0x80, v4, vm0, $0xb8;
	[tilespmem:$0x1FC00] =	vst v63  }
0x3e: {  	s23 =	simm.s32 $0x2C00  }
0x3f: {  	[tilespmem:s23], [sflag:$0x1] =	stream.indirect_vreg.gather [hbm4b:s6+s3], $0x80, v4, vm0, $0xb8;
	[tilespmem:$0x1FC00] =	vst v63  }
0x40: {  	s21 =	simm.s32 $0x3400  }
0x41: {  	[tilespmem:s21], [sflag:$0x1] =	stream.indirect_vreg.gather [hbm4b:s1+s3], $0x80, v3, vm0, $0xb8;
	[tilespmem:$0x1FC00] =	vst v63  }
0x42: {  	s22 =	simm.s32 $0x3C00  }
0x43: {  	[tilespmem:s22], [sflag:$0x1] =	stream.indirect_vreg.gather [hbm4b:s5+s3], $0x80, v3, vm0, $0xb8;
	[tilespmem:$0x1FC00] =	vst v63  }
0x44: {  	s23 =	simm.s32 $0x4400  }
0x45: {  	[tilespmem:s23], [sflag:$0x1] =	stream.indirect_vreg.gather [hbm4b:s6+s3], $0x80, v3, vm0, $0xb8;
	[tilespmem:$0x1FC00] =	vst v63  }
0x46: {  	v3 =	vld [tilespmem:$0x10];
	_ =	sdelay $0x4  }
0x47: {  	v55 =	vshrl.u32 v3, $0x3  }
0x48: {  	v4 =	vmul.u32 $0x30, v55  }
0x49: {  	v3 =	vand.u32 $0x7, v3  }
0x4a: {  	v3 =	vor.u32 v3, v4  }
0x4b: {  	v4 =	vperm.xlane v3, v0;
	_ =	sdelay $0x1  }
0x4c: {  	v4 =	vadd.s32 v1, v4;
	_ =	sdelay $0x3  }
0x4d: {  	s21 =	simm.s32 $0x4C00;
	v3 =	vperm.xlane v3, v2  }
0x4e: {  	[tilespmem:s21], [sflag:$0x1] =	stream.indirect_vreg.gather [hbm4b:s1+s3], $0x80, v4, vm0, $0xb8;
	[tilespmem:$0x1FC00] =	vst v63  }
0x4f: {  	s22 =	simm.s32 $0x5400;
	v3 =	vadd.s32 v1, v3  }
0x50: {  	[tilespmem:s22], [sflag:$0x1] =	stream.indirect_vreg.gather [hbm4b:s5+s3], $0x80, v4, vm0, $0xb8;
	[tilespmem:$0x1FC00] =	vst v63  }
0x51: {  	s23 =	simm.s32 $0x5C00  }
0x52: {  	[tilespmem:s23], [sflag:$0x1] =	stream.indirect_vreg.gather [hbm4b:s6+s3], $0x80, v4, vm0, $0xb8;
	[tilespmem:$0x1FC00] =	vst v63  }
0x53: {  	s21 =	simm.s32 $0x6400  }
0x54: {  	[tilespmem:s21], [sflag:$0x1] =	stream.indirect_vreg.gather [hbm4b:s1+s3], $0x80, v3, vm0, $0xb8;
	[tilespmem:$0x1FC00] =	vst v63  }
0x55: {  	s22 =	simm.s32 $0x6C00  }
0x56: {  	[tilespmem:s22], [sflag:$0x1] =	stream.indirect_vreg.gather [hbm4b:s5+s3], $0x80, v3, vm0, $0xb8;
	[tilespmem:$0x1FC00] =	vst v63  }
0x57: {  	s23 =	simm.s32 $0x7400  }
0x58: {  	[tilespmem:s23], [sflag:$0x1] =	stream.indirect_vreg.gather [hbm4b:s6+s3], $0x80, v3, vm0, $0xb8;
	[tilespmem:$0x1FC00] =	vst v63  }
0x59: {  	v3 =	vld [tilespmem:$0x80];
	_ =	sdelay $0x4  }
0x5a: {  	v56 =	vshrl.u32 v3, $0x3  }
0x5b: {  	v4 =	vmul.u32 $0x30, v56  }
0x5c: {  	v3 =	vand.u32 $0x7, v3  }
0x5d: {  	v3 =	vor.u32 v3, v4  }
0x5e: {  	v4 =	vperm.xlane v3, v0;
	_ =	sdelay $0x1  }
0x5f: {  	v4 =	vadd.s32 v1, v4;
	_ =	sdelay $0x3  }
0x60: {  	v3 =	vperm.xlane v3, v2  }
0x61: {  	[tilespmem:s26], [sflag:$0x2] =	stream.indirect_vreg.gather [hbm4b:s1+s3], $0x80, v4, vm0, $0xb8;
	[tilespmem:$0x1FC00] =	vst v63  }
0x62: {  	s21 =	simm.s32 $0x8400;
	v3 =	vadd.s32 v1, v3  }
0x63: {  	[tilespmem:s21], [sflag:$0x2] =	stream.indirect_vreg.gather [hbm4b:s5+s3], $0x80, v4, vm0, $0xb8;
	[tilespmem:$0x1FC00] =	vst v63  }
0x64: {  	s22 =	simm.s32 $0x8C00  }
0x65: {  	[tilespmem:s22], [sflag:$0x2] =	stream.indirect_vreg.gather [hbm4b:s6+s3], $0x80, v4, vm0, $0xb8;
	[tilespmem:$0x1FC00] =	vst v63  }
0x66: {  	s23 =	simm.s32 $0x9400  }
0x67: {  	[tilespmem:s23], [sflag:$0x2] =	stream.indirect_vreg.gather [hbm4b:s1+s3], $0x80, v3, vm0, $0xb8;
	[tilespmem:$0x1FC00] =	vst v63  }
0x68: {  	s21 =	simm.s32 $0x9C00  }
0x69: {  	[tilespmem:s21], [sflag:$0x2] =	stream.indirect_vreg.gather [hbm4b:s5+s3], $0x80, v3, vm0, $0xb8;
	[tilespmem:$0x1FC00] =	vst v63  }
0x6a: {  	s22 =	simm.s32 $0xA400  }
0x6b: {  	[tilespmem:s22], [sflag:$0x2] =	stream.indirect_vreg.gather [hbm4b:s6+s3], $0x80, v3, vm0, $0xb8;
	[tilespmem:$0x1FC00] =	vst v63  }
0x6c: {  	v3 =	vld [tilespmem:$0x90];
	_ =	sdelay $0x4  }
0x6d: {  	v57 =	vshrl.u32 v3, $0x3  }
0x6e: {  	v4 =	vmul.u32 $0x30, v57  }
0x6f: {  	v3 =	vand.u32 $0x7, v3  }
0x70: {  	v3 =	vor.u32 v3, v4  }
0x71: {  	v4 =	vperm.xlane v3, v0;
	_ =	sdelay $0x1  }
0x72: {  	v4 =	vadd.s32 v1, v4;
	_ =	sdelay $0x3  }
0x73: {  	s23 =	simm.s32 $0xAC00;
	v3 =	vperm.xlane v3, v2  }
0x74: {  	[tilespmem:s23], [sflag:$0x2] =	stream.indirect_vreg.gather [hbm4b:s1+s3], $0x80, v4, vm0, $0xb8;
	[tilespmem:$0x1FC00] =	vst v63  }
0x75: {  	s21 =	simm.s32 $0xB400;
	v3 =	vadd.s32 v1, v3  }
0x76: {  	[tilespmem:s21], [sflag:$0x2] =	stream.indirect_vreg.gather [hbm4b:s5+s3], $0x80, v4, vm0, $0xb8;
	[tilespmem:$0x1FC00] =	vst v63  }
0x77: {  	s22 =	simm.s32 $0xBC00  }
0x78: {  	[tilespmem:s22], [sflag:$0x2] =	stream.indirect_vreg.gather [hbm4b:s6+s3], $0x80, v4, vm0, $0xb8;
	[tilespmem:$0x1FC00] =	vst v63  }
0x79: {  	s23 =	simm.s32 $0xC400  }
0x7a: {  	[tilespmem:s23], [sflag:$0x2] =	stream.indirect_vreg.gather [hbm4b:s1+s3], $0x80, v3, vm0, $0xb8;
	[tilespmem:$0x1FC00] =	vst v63  }
0x7b: {  	s21 =	simm.s32 $0xCC00  }
0x7c: {  	[tilespmem:s21], [sflag:$0x2] =	stream.indirect_vreg.gather [hbm4b:s5+s3], $0x80, v3, vm0, $0xb8;
	[tilespmem:$0x1FC00] =	vst v63  }
0x7d: {  	s22 =	simm.s32 $0xD400  }
0x7e: {  	[tilespmem:s22], [sflag:$0x2] =	stream.indirect_vreg.gather [hbm4b:s6+s3], $0x80, v3, vm0, $0xb8;
	[tilespmem:$0x1FC00] =	vst v63  }
0x7f: {  	v3 =	vld [tilespmem:$0x100];
	_ =	sdelay $0x4  }
0x80: {  	v58 =	vshrl.u32 v3, $0x3  }
0x81: {  	v4 =	vmul.u32 $0x30, v58  }
0x82: {  	v3 =	vand.u32 $0x7, v3  }
0x83: {  	v3 =	vor.u32 v3, v4  }
0x84: {  	v4 =	vperm.xlane v3, v0;
	_ =	sdelay $0x1  }
0x85: {  	v4 =	vadd.s32 v1, v4;
	_ =	sdelay $0x3  }
0x86: {  	v3 =	vperm.xlane v3, v2  }
0x87: {  	[tilespmem:s20], [sflag:$0x3] =	stream.indirect_vreg.gather [hbm4b:s1+s3], $0x80, v4, vm0, $0xb8;
	[tilespmem:$0x1FC00] =	vst v63  }
0x88: {  	s23 =	simm.s32 $0xE400;
	v3 =	vadd.s32 v1, v3  }
0x89: {  	[tilespmem:s23], [sflag:$0x3] =	stream.indirect_vreg.gather [hbm4b:s5+s3], $0x80, v4, vm0, $0xb8;
	[tilespmem:$0x1FC00] =	vst v63  }
0x8a: {  	s21 =	simm.s32 $0xEC00  }
0x8b: {  	[tilespmem:s21], [sflag:$0x3] =	stream.indirect_vreg.gather [hbm4b:s6+s3], $0x80, v4, vm0, $0xb8;
	[tilespmem:$0x1FC00] =	vst v63  }
0x8c: {  	s22 =	simm.s32 $0xF400  }
0x8d: {  	[tilespmem:s22], [sflag:$0x3] =	stream.indirect_vreg.gather [hbm4b:s1+s3], $0x80, v3, vm0, $0xb8;
	[tilespmem:$0x1FC00] =	vst v63  }
0x8e: {  	_ = 	snop  }
0x8f: {  	[tilespmem:s24], [sflag:$0x3] =	stream.indirect_vreg.gather [hbm4b:s5+s3], $0x80, v3, vm0, $0xb8;
	[tilespmem:$0x1FC00] =	vst v63  }
0x90: {  	_ = 	snop  }
0x91: {  	[tilespmem:s25], [sflag:$0x3] =	stream.indirect_vreg.gather [hbm4b:s6+s3], $0x80, v3, vm0, $0xb8;
	[tilespmem:$0x1FC00] =	vst v63  }
0x92: {  	v3 =	vld [tilespmem:$0x110];
	_ =	sdelay $0x4  }
0x93: {  	v59 =	vshrl.u32 v3, $0x3  }
0x94: {  	v4 =	vmul.u32 $0x30, v59  }
0x95: {  	v3 =	vand.u32 $0x7, v3  }
0x96: {  	v3 =	vor.u32 v3, v4  }
0x97: {  	v4 =	vperm.xlane v3, v0;
	_ =	sdelay $0x1  }
0x98: {  	v4 =	vadd.s32 v1, v4;
	_ =	sdelay $0x3  }
0x99: {  	v3 =	vperm.xlane v3, v2  }
0x9a: {  	[tilespmem:s28], [sflag:$0x3] =	stream.indirect_vreg.gather [hbm4b:s1+s3], $0x80, v4, vm0, $0xb8;
	[tilespmem:$0x1FC00] =	vst v63  }
0x9b: {  	v3 =	vadd.s32 v1, v3  }
0x9c: {  	[tilespmem:s29], [sflag:$0x3] =	stream.indirect_vreg.gather [hbm4b:s5+s3], $0x80, v4, vm0, $0xb8;
	[tilespmem:$0x1FC00] =	vst v63  }
0x9d: {  	_ = 	snop  }
0x9e: {  	[tilespmem:s30], [sflag:$0x3] =	stream.indirect_vreg.gather [hbm4b:s6+s3], $0x80, v4, vm0, $0xb8;
	[tilespmem:$0x1FC00] =	vst v63  }
0x9f: {  	_ = 	snop  }
0xa0: {  	[tilespmem:s31], [sflag:$0x3] =	stream.indirect_vreg.gather [hbm4b:s1+s3], $0x80, v3, vm0, $0xb8;
	[tilespmem:$0x1FC00] =	vst v63  }
0xa1: {  	_ = 	snop  }
0xa2: {  	[tilespmem:s0], [sflag:$0x3] =	stream.indirect_vreg.gather [hbm4b:s5+s3], $0x80, v3, vm0, $0xb8;
	[tilespmem:$0x1FC00] =	vst v63  }
0xa3: {  	_ = 	snop  }
0xa4: {  	[tilespmem:s2], [sflag:$0x3] =	stream.indirect_vreg.gather [hbm4b:s6+s3], $0x80, v3, vm0, $0xb8;
	[tilespmem:$0x1FC00] =	vst v63  }
0xa5: {  	v3 =	vld [tilespmem:$0x180];
	_ =	sdelay $0x4  }
0xa6: {  	v60 =	vshrl.u32 v3, $0x3  }
0xa7: {  	v4 =	vmul.u32 $0x30, v60  }
0xa8: {  	v3 =	vand.u32 $0x7, v3  }
0xa9: {  	v3 =	vor.u32 v3, v4  }
0xaa: {  	v4 =	vperm.xlane v3, v0;
	_ =	sdelay $0x1  }
0xab: {  	v4 =	vadd.s32 v1, v4;
	_ =	sdelay $0x3  }
0xac: {  	v3 =	vperm.xlane v3, v2  }
0xad: {  	[tilespmem:s15], [sflag:$0x4] =	stream.indirect_vreg.gather [hbm4b:s1+s3], $0x80, v4, vm0, $0xb8;
	[tilespmem:$0x1FC00] =	vst v63  }
0xae: {  	s23 =	simm.s32 $0x14400;
	v3 =	vadd.s32 v1, v3  }
0xaf: {  	[tilespmem:s23], [sflag:$0x4] =	stream.indirect_vreg.gather [hbm4b:s5+s3], $0x80, v4, vm0, $0xb8;
	[tilespmem:$0x1FC00] =	vst v63  }
0xb0: {  	s21 =	simm.s32 $0x14C00  }
0xb1: {  	[tilespmem:s21], [sflag:$0x4] =	stream.indirect_vreg.gather [hbm4b:s6+s3], $0x80, v4, vm0, $0xb8;
	[tilespmem:$0x1FC00] =	vst v63  }
0xb2: {  	s22 =	simm.s32 $0x15400  }
0xb3: {  	[tilespmem:s22], [sflag:$0x4] =	stream.indirect_vreg.gather [hbm4b:s1+s3], $0x80, v3, vm0, $0xb8;
	[tilespmem:$0x1FC00] =	vst v63  }
0xb4: {  	s23 =	simm.s32 $0x15C00  }
0xb5: {  	[tilespmem:s23], [sflag:$0x4] =	stream.indirect_vreg.gather [hbm4b:s5+s3], $0x80, v3, vm0, $0xb8;
	[tilespmem:$0x1FC00] =	vst v63  }
0xb6: {  	s21 =	simm.s32 $0x16400  }
0xb7: {  	[tilespmem:s21], [sflag:$0x4] =	stream.indirect_vreg.gather [hbm4b:s6+s3], $0x80, v3, vm0, $0xb8;
	[tilespmem:$0x1FC00] =	vst v63  }
0xb8: {  	v3 =	vld [tilespmem:$0x190];
	_ =	sdelay $0x4  }
0xb9: {  	v61 =	vshrl.u32 v3, $0x3  }
0xba: {  	v4 =	vmul.u32 $0x30, v61  }
0xbb: {  	v3 =	vand.u32 $0x7, v3  }
0xbc: {  	v3 =	vor.u32 v3, v4  }
0xbd: {  	v4 =	vperm.xlane v3, v0;
	_ =	sdelay $0x1  }
0xbe: {  	v4 =	vadd.s32 v1, v4;
	_ =	sdelay $0x3  }
0xbf: {  	s22 =	simm.s32 $0x16C00;
	v3 =	vperm.xlane v3, v2  }
0xc0: {  	[tilespmem:s22], [sflag:$0x4] =	stream.indirect_vreg.gather [hbm4b:s1+s3], $0x80, v4, vm0, $0xb8;
	[tilespmem:$0x1FC00] =	vst v63  }
0xc1: {  	s23 =	simm.s32 $0x17400;
	v3 =	vadd.s32 v1, v3  }
0xc2: {  	[tilespmem:s23], [sflag:$0x4] =	stream.indirect_vreg.gather [hbm4b:s5+s3], $0x80, v4, vm0, $0xb8;
	[tilespmem:$0x1FC00] =	vst v63  }
0xc3: {  	s21 =	simm.s32 $0x17C00  }
0xc4: {  	[tilespmem:s21], [sflag:$0x4] =	stream.indirect_vreg.gather [hbm4b:s6+s3], $0x80, v4, vm0, $0xb8;
	[tilespmem:$0x1FC00] =	vst v63  }
0xc5: {  	s22 =	simm.s32 $0x18400  }
0xc6: {  	[tilespmem:s22], [sflag:$0x4] =	stream.indirect_vreg.gather [hbm4b:s1+s3], $0x80, v3, vm0, $0xb8;
	[tilespmem:$0x1FC00] =	vst v63  }
0xc7: {  	s23 =	simm.s32 $0x18C00  }
0xc8: {  	[tilespmem:s23], [sflag:$0x4] =	stream.indirect_vreg.gather [hbm4b:s5+s3], $0x80, v3, vm0, $0xb8;
	[tilespmem:$0x1FC00] =	vst v63  }
0xc9: {  	s21 =	simm.s32 $0x19400  }
0xca: {  	[tilespmem:s21], [sflag:$0x4] =	stream.indirect_vreg.gather [hbm4b:s6+s3], $0x80, v3, vm0, $0xb8;
	[tilespmem:$0x1FC00] =	vst v63  }
0xcb: {  	v3 =	vld [tilespmem:$0x200];
	_ =	sdelay $0x4  }
0xcc: {  	v62 =	vshrl.u32 v3, $0x3  }
0xcd: {  	v4 =	vmul.u32 $0x30, v62  }
0xce: {  	v3 =	vand.u32 $0x7, v3  }
0xcf: {  	v3 =	vor.u32 v3, v4  }
0xd0: {  	v4 =	vperm.xlane v3, v0;
	_ =	sdelay $0x1  }
0xd1: {  	v4 =	vadd.s32 v1, v4;
	_ =	sdelay $0x3  }
0xd2: {  	v3 =	vperm.xlane v3, v2  }
0xd3: {  	[tilespmem:s19], [sflag:$0x5] =	stream.indirect_vreg.gather [hbm4b:s1+s3], $0x80, v4, vm0, $0xb8;
	[tilespmem:$0x1FC00] =	vst v63  }
0xd4: {  	s22 =	simm.s32 $0x1A400;
	v3 =	vadd.s32 v1, v3  }
0xd5: {  	[tilespmem:s22], [sflag:$0x5] =	stream.indirect_vreg.gather [hbm4b:s5+s3], $0x80, v4, vm0, $0xb8;
	[tilespmem:$0x1FC00] =	vst v63  }
0xd6: {  	s23 =	simm.s32 $0x1AC00  }
0xd7: {  	[tilespmem:s23], [sflag:$0x5] =	stream.indirect_vreg.gather [hbm4b:s6+s3], $0x80, v4, vm0, $0xb8;
	[tilespmem:$0x1FC00] =	vst v63  }
0xd8: {  	s21 =	simm.s32 $0x1B400  }
0xd9: {  	[tilespmem:s21], [sflag:$0x5] =	stream.indirect_vreg.gather [hbm4b:s1+s3], $0x80, v3, vm0, $0xb8;
	[tilespmem:$0x1FC00] =	vst v63  }
0xda: {  	s22 =	simm.s32 $0x1BC00  }
0xdb: {  	[tilespmem:s22], [sflag:$0x5] =	stream.indirect_vreg.gather [hbm4b:s5+s3], $0x80, v3, vm0, $0xb8;
	[tilespmem:$0x1FC00] =	vst v63  }
0xdc: {  	s23 =	simm.s32 $0x1C400  }
0xdd: {  	[tilespmem:s23], [sflag:$0x5] =	stream.indirect_vreg.gather [hbm4b:s6+s3], $0x80, v3, vm0, $0xb8;
	[tilespmem:$0x1FC00] =	vst v63  }
0xde: {  	v3 =	vld [tilespmem:$0x210];
	_ =	sdelay $0x4  }
0xdf: {  	v63 =	vshrl.u32 v3, $0x3  }
0xe0: {  	v4 =	vmul.u32 $0x30, v63  }
0xe1: {  	v3 =	vand.u32 $0x7, v3  }
0xe2: {  	v3 =	vor.u32 v3, v4  }
0xe3: {  	v4 =	vperm.xlane v3, v0;
	_ =	sdelay $0x1  }
0xe4: {  	v4 =	vadd.s32 v1, v4;
	_ =	sdelay $0x3  }
0xe5: {  	s21 =	simm.s32 $0x1CC00;
	v3 =	vperm.xlane v3, v2  }
0xe6: {  	[tilespmem:s21], [sflag:$0x5] =	stream.indirect_vreg.gather [hbm4b:s1+s3], $0x80, v4, vm0, $0xb8;
	[tilespmem:$0x1FC00] =	vst v63  }
0xe7: {  	s22 =	simm.s32 $0x1D400;
	v3 =	vadd.s32 v1, v3  }
0xe8: {  	[tilespmem:s22], [sflag:$0x5] =	stream.indirect_vreg.gather [hbm4b:s5+s3], $0x80, v4, vm0, $0xb8;
	[tilespmem:$0x1FC00] =	vst v63  }
0xe9: {  	s23 =	simm.s32 $0x1DC00  }
0xea: {  	[tilespmem:s23], [sflag:$0x5] =	stream.indirect_vreg.gather [hbm4b:s6+s3], $0x80, v4, vm0, $0xb8;
	[tilespmem:$0x1FC00] =	vst v63  }
0xeb: {  	s21 =	simm.s32 $0x1E400  }
0xec: {  	[tilespmem:s21], [sflag:$0x5] =	stream.indirect_vreg.gather [hbm4b:s1+s3], $0x80, v3, vm0, $0xb8;
	[tilespmem:$0x1FC00] =	vst v63  }
0xed: {  	s22 =	simm.s32 $0x1EC00  }
0xee: {  	[tilespmem:s22], [sflag:$0x5] =	stream.indirect_vreg.gather [hbm4b:s5+s3], $0x80, v3, vm0, $0xb8;
	[tilespmem:$0x1FC00] =	vst v63  }
0xef: {  	s14 =	simm.s32 $0x200;
	s23 =	simm.s32 $0x1F400;
	s21 =	simm.s32 $0x0  }
0xf0: {  	[tilespmem:s23], [sflag:$0x5] =	stream.indirect_vreg.gather [hbm4b:s6+s3], $0x80, v3, vm0, $0xb8;
	[tilespmem:$0x1FC00] =	vst v63  }
.LBB2_2:
0xf1: {  	_ =	swait.ge [sflag:s18], $0x6000  }
0xf2: {  	s22 =	sadd.s32 s21, s10;
	[sflag:s18] =	ssyncset.done $0x0  }
0xf3: {  	s23 =	simm.s32 $0x1C00;
	p0 =	seq.s32 s21, $0x0;
	[sflag:s18] =	ssyncadd.s32 $0xFFFFA000  }
0xf4: {  	[hbm4b:s22+s3] =	stream.linear.scatter [tilespmem:s23], [sflag:$0x6], $0x6000, $0x38;
	[tilespmem:$0x1FC00] =	vst v63  }
0xf5: {  	s22 =	simm.s32 @!p0 $0x9  }
0xf6: {  	_ =	swait.ge @!p0 [sflag:s22], $0x6000  }
0xf7: {  	[sflag:s22] =	ssyncset.done @!p0 $0x0  }
0xf8: {  	[sflag:s22] =	ssyncadd.s32 @!p0 $0xFFFFA000  }
0xf9: {  	v3 =	vld @!p0 [tilespmem:s14+$0xFFFFFF80];
	_ =	sdelay $0x4  }
0xfa: {  	v4 =	vshrl.u32 @!p0 v3, $0x3  }
0xfb: {  	v4 =	vmul.u32 @!p0 $0x30, v4  }
0xfc: {  	v5 =	vlaneseq.u32 @!p0;
	v3 =	vand.u32 @!p0 $0x7, v3  }
0xfd: {  	v6 =	vshrl.u32 @!p0 v5, $0x3;
	v3 =	vor.u32 @!p0 v3, v4;
	v4 =	vand.u32 @!p0 $0x7, v5  }
0xfe: {  	v6 =	vmul.u32 @!p0 $0x8, v6;
	v7 =	vperm.xlane @!p0 v3, v4;
	_ =	sdelay $0x1  }
0xff: {  	v7 =	vadd.s32 @!p0 v6, v7;
	_ =	sdelay $0x2  }
0x100: {  	v5 =	vor.u32 @!p0 $0x8, v5  }
0x101: {  	vm1 =	vmmov @!p0 $0xffff;
	s23 =	simm.s32 @!p0 $0x13C00;
	s22 =	simm.s32 @!p0 $0x0;
	v3 =	vperm.xlane @!p0 v3, v5  }
0x102: {  	[tilespmem:s23], [sflag:$0x4] =	stream.indirect_vreg.gather @!p0 [hbm4b:s1+s22], $0x80, v7, vm1, $0xb8;
	[tilespmem:$0x1FC00] =	vst v63  }
0x103: {  	v3 =	vadd.s32 @!p0 v6, v3;
	s23 =	simm.s32 @!p0 $0x14400  }
0x104: {  	[tilespmem:s23], [sflag:$0x4] =	stream.indirect_vreg.gather @!p0 [hbm4b:s5+s22], $0x80, v7, vm1, $0xb8;
	[tilespmem:$0x1FC00] =	vst v63  }
0x105: {  	s23 =	simm.s32 @!p0 $0x14C00  }
0x106: {  	[tilespmem:s23], [sflag:$0x4] =	stream.indirect_vreg.gather @!p0 [hbm4b:s6+s22], $0x80, v7, vm1, $0xb8;
	[tilespmem:$0x1FC00] =	vst v63  }
0x107: {  	s23 =	simm.s32 @!p0 $0x15400  }
0x108: {  	[tilespmem:s23], [sflag:$0x4] =	stream.indirect_vreg.gather @!p0 [hbm4b:s1+s22], $0x80, v3, vm1, $0xb8;
	[tilespmem:$0x1FC00] =	vst v63  }
0x109: {  	s23 =	simm.s32 @!p0 $0x15C00  }
0x10a: {  	[tilespmem:s23], [sflag:$0x4] =	stream.indirect_vreg.gather @!p0 [hbm4b:s5+s22], $0x80, v3, vm1, $0xb8;
	[tilespmem:$0x1FC00] =	vst v63  }
0x10b: {  	s23 =	simm.s32 @!p0 $0x16400  }
0x10c: {  	[tilespmem:s23], [sflag:$0x4] =	stream.indirect_vreg.gather @!p0 [hbm4b:s6+s22], $0x80, v3, vm1, $0xb8;
	[tilespmem:$0x1FC00] =	vst v63  }
0x10d: {  	v3 =	vld @!p0 [tilespmem:s14+$0xFFFFFF90];
	_ =	sdelay $0x4  }
0x10e: {  	v7 =	vshrl.u32 @!p0 v3, $0x3  }
0x10f: {  	v7 =	vmul.u32 @!p0 $0x30, v7  }
0x110: {  	v3 =	vand.u32 @!p0 $0x7, v3  }
0x111: {  	v3 =	vor.u32 @!p0 v3, v7  }
0x112: {  	v7 =	vperm.xlane @!p0 v3, v4;
	_ =	sdelay $0x1  }
0x113: {  	v7 =	vadd.s32 @!p0 v6, v7;
	_ =	sdelay $0x3  }
0x114: {  	s23 =	simm.s32 @!p0 $0x16C00;
	v3 =	vperm.xlane @!p0 v3, v5  }
0x115: {  	[tilespmem:s23], [sflag:$0x4] =	stream.indirect_vreg.gather @!p0 [hbm4b:s1+s22], $0x80, v7, vm1, $0xb8;
	[tilespmem:$0x1FC00] =	vst v63  }
0x116: {  	v3 =	vadd.s32 @!p0 v6, v3;
	s23 =	simm.s32 @!p0 $0x17400  }
0x117: {  	[tilespmem:s23], [sflag:$0x4] =	stream.indirect_vreg.gather @!p0 [hbm4b:s5+s22], $0x80, v7, vm1, $0xb8;
	[tilespmem:$0x1FC00] =	vst v63  }
0x118: {  	s23 =	simm.s32 @!p0 $0x17C00  }
0x119: {  	[tilespmem:s23], [sflag:$0x4] =	stream.indirect_vreg.gather @!p0 [hbm4b:s6+s22], $0x80, v7, vm1, $0xb8;
	[tilespmem:$0x1FC00] =	vst v63  }
0x11a: {  	s23 =	simm.s32 @!p0 $0x18400  }
0x11b: {  	[tilespmem:s23], [sflag:$0x4] =	stream.indirect_vreg.gather @!p0 [hbm4b:s1+s22], $0x80, v3, vm1, $0xb8;
	[tilespmem:$0x1FC00] =	vst v63  }
0x11c: {  	s23 =	simm.s32 @!p0 $0x18C00  }
0x11d: {  	[tilespmem:s23], [sflag:$0x4] =	stream.indirect_vreg.gather @!p0 [hbm4b:s5+s22], $0x80, v3, vm1, $0xb8;
	[tilespmem:$0x1FC00] =	vst v63  }
0x11e: {  	s23 =	simm.s32 @!p0 $0x19400  }
0x11f: {  	[tilespmem:s23], [sflag:$0x4] =	stream.indirect_vreg.gather @!p0 [hbm4b:s6+s22], $0x80, v3, vm1, $0xb8;
	[tilespmem:$0x1FC00] =	vst v63  }
0x120: {  	_ =	swait.ge [sflag:s16], $0x6000  }
0x121: {  	[sflag:s16] =	ssyncset.done $0x0  }
0x122: {  	s23 =	sadd.s32 s21, s12;
	[sflag:s16] =	ssyncadd.s32 $0xFFFFA000  }
0x123: {  	[hbm4b:s23+s3] =	stream.linear.scatter [tilespmem:s26], [sflag:$0x7], $0x6000, $0x38;
	[tilespmem:$0x1FC00] =	vst v63  }
0x124: {  	s23 =	simm.s32 @!p0 $0xA  }
0x125: {  	_ =	swait.ge @!p0 [sflag:s23], $0x6000  }
0x126: {  	[sflag:s23] =	ssyncset.done @!p0 $0x0  }
0x127: {  	[sflag:s23] =	ssyncadd.s32 @!p0 $0xFFFFA000  }
0x128: {  	v3 =	vld @!p0 [tilespmem:s14+$0x0];
	_ =	sdelay $0x4  }
0x129: {  	v7 =	vshrl.u32 @!p0 v3, $0x3  }
0x12a: {  	v7 =	vmul.u32 @!p0 $0x30, v7  }
0x12b: {  	v3 =	vand.u32 @!p0 $0x7, v3  }
0x12c: {  	v3 =	vor.u32 @!p0 v3, v7  }
0x12d: {  	v7 =	vperm.xlane @!p0 v3, v4;
	_ =	sdelay $0x1  }
0x12e: {  	v7 =	vadd.s32 @!p0 v6, v7;
	_ =	sdelay $0x3  }
0x12f: {  	s23 =	simm.s32 @!p0 $0x19C00;
	v3 =	vperm.xlane @!p0 v3, v5  }
0x130: {  	[tilespmem:s23], [sflag:$0x5] =	stream.indirect_vreg.gather @!p0 [hbm4b:s1+s22], $0x80, v7, vm1, $0xb8;
	[tilespmem:$0x1FC00] =	vst v63  }
0x131: {  	v3 =	vadd.s32 @!p0 v6, v3;
	s23 =	simm.s32 @!p0 $0x1A400  }
0x132: {  	[tilespmem:s23], [sflag:$0x5] =	stream.indirect_vreg.gather @!p0 [hbm4b:s5+s22], $0x80, v7, vm1, $0xb8;
	[tilespmem:$0x1FC00] =	vst v63  }
0x133: {  	s23 =	simm.s32 @!p0 $0x1AC00  }
0x134: {  	[tilespmem:s23], [sflag:$0x5] =	stream.indirect_vreg.gather @!p0 [hbm4b:s6+s22], $0x80, v7, vm1, $0xb8;
	[tilespmem:$0x1FC00] =	vst v63  }
0x135: {  	s23 =	simm.s32 @!p0 $0x1B400  }
0x136: {  	[tilespmem:s23], [sflag:$0x5] =	stream.indirect_vreg.gather @!p0 [hbm4b:s1+s22], $0x80, v3, vm1, $0xb8;
	[tilespmem:$0x1FC00] =	vst v63  }
0x137: {  	s23 =	simm.s32 @!p0 $0x1BC00  }
0x138: {  	[tilespmem:s23], [sflag:$0x5] =	stream.indirect_vreg.gather @!p0 [hbm4b:s5+s22], $0x80, v3, vm1, $0xb8;
	[tilespmem:$0x1FC00] =	vst v63  }
0x139: {  	s23 =	simm.s32 @!p0 $0x1C400  }
0x13a: {  	[tilespmem:s23], [sflag:$0x5] =	stream.indirect_vreg.gather @!p0 [hbm4b:s6+s22], $0x80, v3, vm1, $0xb8;
	[tilespmem:$0x1FC00] =	vst v63  }
0x13b: {  	v3 =	vld @!p0 [tilespmem:s14+$0x10];
	_ =	sdelay $0x4  }
0x13c: {  	v7 =	vshrl.u32 @!p0 v3, $0x3  }
0x13d: {  	v7 =	vmul.u32 @!p0 $0x30, v7  }
0x13e: {  	v3 =	vand.u32 @!p0 $0x7, v3  }
0x13f: {  	v3 =	vor.u32 @!p0 v3, v7  }
0x140: {  	v4 =	vperm.xlane @!p0 v3, v4;
	_ =	sdelay $0x1  }
0x141: {  	v4 =	vadd.s32 @!p0 v6, v4;
	_ =	sdelay $0x3  }
0x142: {  	s23 =	simm.s32 @!p0 $0x1CC00;
	v3 =	vperm.xlane @!p0 v3, v5  }
0x143: {  	[tilespmem:s23], [sflag:$0x5] =	stream.indirect_vreg.gather @!p0 [hbm4b:s1+s22], $0x80, v4, vm1, $0xb8;
	[tilespmem:$0x1FC00] =	vst v63  }
0x144: {  	v3 =	vadd.s32 @!p0 v6, v3;
	s23 =	simm.s32 @!p0 $0x1D400  }
0x145: {  	[tilespmem:s23], [sflag:$0x5] =	stream.indirect_vreg.gather @!p0 [hbm4b:s5+s22], $0x80, v4, vm1, $0xb8;
	[tilespmem:$0x1FC00] =	vst v63  }
0x146: {  	s23 =	simm.s32 @!p0 $0x1DC00  }
0x147: {  	[tilespmem:s23], [sflag:$0x5] =	stream.indirect_vreg.gather @!p0 [hbm4b:s6+s22], $0x80, v4, vm1, $0xb8;
	[tilespmem:$0x1FC00] =	vst v63  }
0x148: {  	s23 =	simm.s32 @!p0 $0x1E400  }
0x149: {  	[tilespmem:s23], [sflag:$0x5] =	stream.indirect_vreg.gather @!p0 [hbm4b:s1+s22], $0x80, v3, vm1, $0xb8;
	[tilespmem:$0x1FC00] =	vst v63  }
0x14a: {  	s23 =	simm.s32 @!p0 $0x1EC00  }
0x14b: {  	[tilespmem:s23], [sflag:$0x5] =	stream.indirect_vreg.gather @!p0 [hbm4b:s5+s22], $0x80, v3, vm1, $0xb8;
	[tilespmem:$0x1FC00] =	vst v63  }
0x14c: {  	s23 =	simm.s32 @!p0 $0x1F400  }
0x14d: {  	[tilespmem:s23], [sflag:$0x5] =	stream.indirect_vreg.gather @!p0 [hbm4b:s6+s22], $0x80, v3, vm1, $0xb8;
	[tilespmem:$0x1FC00] =	vst v63  }
0x14e: {  	_ =	swait.ge [sflag:s17], $0x6000  }
0x14f: {  	p0 =	seq.s32 s21, $0x21C00;
	[sflag:s17] =	ssyncset.done $0x0  }
0x150: {  	s23 =	sadd.s32 s21, s11;
	s22 =	simm.s32 @!p0 $0x6;
	[sflag:s17] =	ssyncadd.s32 $0xFFFFA000  }
0x151: {  	[hbm4b:s23+s3] =	stream.linear.scatter [tilespmem:s20], [sflag:$0x8], $0x6000, $0x38;
	[tilespmem:$0x1FC00] =	vst v63  }
0x152: {  	_ =	swait.ge @!p0 [sflag:s22], $0x6000  }
0x153: {  	[sflag:s22] =	ssyncset.done @!p0 $0x0  }
0x154: {  	[sflag:s22] =	ssyncadd.s32 @!p0 $0xFFFFA000  }
0x155: {  	v3 =	vld @!p0 [tilespmem:s14+$0x80];
	_ =	sdelay $0x4  }
0x156: {  	v4 =	vshrl.u32 @!p0 v3, $0x3  }
0x157: {  	v4 =	vmul.u32 @!p0 $0x30, v4  }
0x158: {  	v5 =	vlaneseq.u32 @!p0;
	v3 =	vand.u32 @!p0 $0x7, v3  }
0x159: {  	v6 =	vshrl.u32 @!p0 v5, $0x3;
	v3 =	vor.u32 @!p0 v3, v4;
	v4 =	vand.u32 @!p0 $0x7, v5  }
0x15a: {  	v6 =	vmul.u32 @!p0 $0x8, v6;
	v7 =	vperm.xlane @!p0 v3, v4;
	_ =	sdelay $0x1  }
0x15b: {  	v7 =	vadd.s32 @!p0 v6, v7;
	_ =	sdelay $0x2  }
0x15c: {  	v5 =	vor.u32 @!p0 $0x8, v5  }
0x15d: {  	vm1 =	vmmov @!p0 $0xffff;
	s23 =	simm.s32 @!p0 $0x1C00;
	s22 =	simm.s32 @!p0 $0x0;
	v3 =	vperm.xlane @!p0 v3, v5  }
0x15e: {  	[tilespmem:s23], [sflag:$0x1] =	stream.indirect_vreg.gather @!p0 [hbm4b:s1+s22], $0x80, v7, vm1, $0xb8;
	[tilespmem:$0x1FC00] =	vst v63  }
0x15f: {  	v3 =	vadd.s32 @!p0 v6, v3;
	s23 =	simm.s32 @!p0 $0x2400  }
0x160: {  	[tilespmem:s23], [sflag:$0x1] =	stream.indirect_vreg.gather @!p0 [hbm4b:s5+s22], $0x80, v7, vm1, $0xb8;
	[tilespmem:$0x1FC00] =	vst v63  }
0x161: {  	s23 =	simm.s32 @!p0 $0x2C00  }
0x162: {  	[tilespmem:s23], [sflag:$0x1] =	stream.indirect_vreg.gather @!p0 [hbm4b:s6+s22], $0x80, v7, vm1, $0xb8;
	[tilespmem:$0x1FC00] =	vst v63  }
0x163: {  	s23 =	simm.s32 @!p0 $0x3400  }
0x164: {  	[tilespmem:s23], [sflag:$0x1] =	stream.indirect_vreg.gather @!p0 [hbm4b:s1+s22], $0x80, v3, vm1, $0xb8;
	[tilespmem:$0x1FC00] =	vst v63  }
0x165: {  	s23 =	simm.s32 @!p0 $0x3C00  }
0x166: {  	[tilespmem:s23], [sflag:$0x1] =	stream.indirect_vreg.gather @!p0 [hbm4b:s5+s22], $0x80, v3, vm1, $0xb8;
	[tilespmem:$0x1FC00] =	vst v63  }
0x167: {  	s23 =	simm.s32 @!p0 $0x4400  }
0x168: {  	[tilespmem:s23], [sflag:$0x1] =	stream.indirect_vreg.gather @!p0 [hbm4b:s6+s22], $0x80, v3, vm1, $0xb8;
	[tilespmem:$0x1FC00] =	vst v63  }
0x169: {  	v3 =	vld @!p0 [tilespmem:s14+$0x90];
	_ =	sdelay $0x4  }
0x16a: {  	v7 =	vshrl.u32 @!p0 v3, $0x3  }
0x16b: {  	v7 =	vmul.u32 @!p0 $0x30, v7  }
0x16c: {  	v3 =	vand.u32 @!p0 $0x7, v3  }
0x16d: {  	v3 =	vor.u32 @!p0 v3, v7  }
0x16e: {  	v7 =	vperm.xlane @!p0 v3, v4;
	_ =	sdelay $0x1  }
0x16f: {  	v7 =	vadd.s32 @!p0 v6, v7;
	_ =	sdelay $0x3  }
0x170: {  	s23 =	simm.s32 @!p0 $0x4C00;
	v3 =	vperm.xlane @!p0 v3, v5  }
0x171: {  	[tilespmem:s23], [sflag:$0x1] =	stream.indirect_vreg.gather @!p0 [hbm4b:s1+s22], $0x80, v7, vm1, $0xb8;
	[tilespmem:$0x1FC00] =	vst v63  }
0x172: {  	v3 =	vadd.s32 @!p0 v6, v3;
	s23 =	simm.s32 @!p0 $0x5400  }
0x173: {  	[tilespmem:s23], [sflag:$0x1] =	stream.indirect_vreg.gather @!p0 [hbm4b:s5+s22], $0x80, v7, vm1, $0xb8;
	[tilespmem:$0x1FC00] =	vst v63  }
0x174: {  	s23 =	simm.s32 @!p0 $0x5C00  }
0x175: {  	[tilespmem:s23], [sflag:$0x1] =	stream.indirect_vreg.gather @!p0 [hbm4b:s6+s22], $0x80, v7, vm1, $0xb8;
	[tilespmem:$0x1FC00] =	vst v63  }
0x176: {  	s23 =	simm.s32 @!p0 $0x6400  }
0x177: {  	[tilespmem:s23], [sflag:$0x1] =	stream.indirect_vreg.gather @!p0 [hbm4b:s1+s22], $0x80, v3, vm1, $0xb8;
	[tilespmem:$0x1FC00] =	vst v63  }
0x178: {  	s23 =	simm.s32 @!p0 $0x6C00  }
0x179: {  	[tilespmem:s23], [sflag:$0x1] =	stream.indirect_vreg.gather @!p0 [hbm4b:s5+s22], $0x80, v3, vm1, $0xb8;
	[tilespmem:$0x1FC00] =	vst v63  }
0x17a: {  	s23 =	simm.s32 @!p0 $0x7400  }
0x17b: {  	[tilespmem:s23], [sflag:$0x1] =	stream.indirect_vreg.gather @!p0 [hbm4b:s6+s22], $0x80, v3, vm1, $0xb8;
	[tilespmem:$0x1FC00] =	vst v63  }
0x17c: {  	_ =	swait.ge [sflag:s4], $0x6000  }
0x17d: {  	[sflag:s4] =	ssyncset.done $0x0  }
0x17e: {  	s23 =	sadd.s32 s21, s8;
	[sflag:s4] =	ssyncadd.s32 $0xFFFFA000  }
0x17f: {  	[hbm4b:s23+s3] =	stream.linear.scatter [tilespmem:s15], [sflag:$0x9], $0x6000, $0x38;
	[tilespmem:$0x1FC00] =	vst v63  }
0x180: {  	s23 =	simm.s32 @!p0 $0x7  }
0x181: {  	_ =	swait.ge @!p0 [sflag:s23], $0x6000  }
0x182: {  	[sflag:s23] =	ssyncset.done @!p0 $0x0  }
0x183: {  	[sflag:s23] =	ssyncadd.s32 @!p0 $0xFFFFA000  }
0x184: {  	v3 =	vld @!p0 [tilespmem:s14+$0x100];
	_ =	sdelay $0x4  }
0x185: {  	v7 =	vshrl.u32 @!p0 v3, $0x3  }
0x186: {  	v7 =	vmul.u32 @!p0 $0x30, v7  }
0x187: {  	v3 =	vand.u32 @!p0 $0x7, v3  }
0x188: {  	v3 =	vor.u32 @!p0 v3, v7  }
0x189: {  	v7 =	vperm.xlane @!p0 v3, v4;
	_ =	sdelay $0x1  }
0x18a: {  	v7 =	vadd.s32 @!p0 v6, v7;
	_ =	sdelay $0x3  }
0x18b: {  	s23 =	simm.s32 @!p0 $0x7C00;
	v3 =	vperm.xlane @!p0 v3, v5  }
0x18c: {  	[tilespmem:s23], [sflag:$0x2] =	stream.indirect_vreg.gather @!p0 [hbm4b:s1+s22], $0x80, v7, vm1, $0xb8;
	[tilespmem:$0x1FC00] =	vst v63  }
0x18d: {  	v3 =	vadd.s32 @!p0 v6, v3;
	s23 =	simm.s32 @!p0 $0x8400  }
0x18e: {  	[tilespmem:s23], [sflag:$0x2] =	stream.indirect_vreg.gather @!p0 [hbm4b:s5+s22], $0x80, v7, vm1, $0xb8;
	[tilespmem:$0x1FC00] =	vst v63  }
0x18f: {  	s23 =	simm.s32 @!p0 $0x8C00  }
0x190: {  	[tilespmem:s23], [sflag:$0x2] =	stream.indirect_vreg.gather @!p0 [hbm4b:s6+s22], $0x80, v7, vm1, $0xb8;
	[tilespmem:$0x1FC00] =	vst v63  }
0x191: {  	s23 =	simm.s32 @!p0 $0x9400  }
0x192: {  	[tilespmem:s23], [sflag:$0x2] =	stream.indirect_vreg.gather @!p0 [hbm4b:s1+s22], $0x80, v3, vm1, $0xb8;
	[tilespmem:$0x1FC00] =	vst v63  }
0x193: {  	s23 =	simm.s32 @!p0 $0x9C00  }
0x194: {  	[tilespmem:s23], [sflag:$0x2] =	stream.indirect_vreg.gather @!p0 [hbm4b:s5+s22], $0x80, v3, vm1, $0xb8;
	[tilespmem:$0x1FC00] =	vst v63  }
0x195: {  	s23 =	simm.s32 @!p0 $0xA400  }
0x196: {  	[tilespmem:s23], [sflag:$0x2] =	stream.indirect_vreg.gather @!p0 [hbm4b:s6+s22], $0x80, v3, vm1, $0xb8;
	[tilespmem:$0x1FC00] =	vst v63  }
0x197: {  	v3 =	vld @!p0 [tilespmem:s14+$0x110];
	_ =	sdelay $0x4  }
0x198: {  	v7 =	vshrl.u32 @!p0 v3, $0x3  }
0x199: {  	v7 =	vmul.u32 @!p0 $0x30, v7  }
0x19a: {  	v3 =	vand.u32 @!p0 $0x7, v3  }
0x19b: {  	v3 =	vor.u32 @!p0 v3, v7  }
0x19c: {  	v4 =	vperm.xlane @!p0 v3, v4;
	_ =	sdelay $0x1  }
0x19d: {  	v4 =	vadd.s32 @!p0 v6, v4;
	_ =	sdelay $0x3  }
0x19e: {  	s23 =	simm.s32 @!p0 $0xAC00;
	v3 =	vperm.xlane @!p0 v3, v5  }
0x19f: {  	[tilespmem:s23], [sflag:$0x2] =	stream.indirect_vreg.gather @!p0 [hbm4b:s1+s22], $0x80, v4, vm1, $0xb8;
	[tilespmem:$0x1FC00] =	vst v63  }
0x1a0: {  	v3 =	vadd.s32 @!p0 v6, v3;
	s23 =	simm.s32 @!p0 $0xB400  }
0x1a1: {  	[tilespmem:s23], [sflag:$0x2] =	stream.indirect_vreg.gather @!p0 [hbm4b:s5+s22], $0x80, v4, vm1, $0xb8;
	[tilespmem:$0x1FC00] =	vst v63  }
0x1a2: {  	s23 =	simm.s32 @!p0 $0xBC00  }
0x1a3: {  	[tilespmem:s23], [sflag:$0x2] =	stream.indirect_vreg.gather @!p0 [hbm4b:s6+s22], $0x80, v4, vm1, $0xb8;
	[tilespmem:$0x1FC00] =	vst v63  }
0x1a4: {  	s23 =	simm.s32 @!p0 $0xC400  }
0x1a5: {  	[tilespmem:s23], [sflag:$0x2] =	stream.indirect_vreg.gather @!p0 [hbm4b:s1+s22], $0x80, v3, vm1, $0xb8;
	[tilespmem:$0x1FC00] =	vst v63  }
0x1a6: {  	s23 =	simm.s32 @!p0 $0xCC00  }
0x1a7: {  	[tilespmem:s23], [sflag:$0x2] =	stream.indirect_vreg.gather @!p0 [hbm4b:s5+s22], $0x80, v3, vm1, $0xb8;
	[tilespmem:$0x1FC00] =	vst v63  }
0x1a8: {  	s23 =	simm.s32 @!p0 $0xD400  }
0x1a9: {  	[tilespmem:s23], [sflag:$0x2] =	stream.indirect_vreg.gather @!p0 [hbm4b:s6+s22], $0x80, v3, vm1, $0xb8;
	[tilespmem:$0x1FC00] =	vst v63  }
.Ltmp2:
0x1aa: {  	_ = 	snop;
	(pc) =	sbr.rel @p0 .LBB2_4-.Ltmp2, $4  }
0x1ab: {  	_ =	swait.ge [sflag:s7], $0x6000  }
0x1ac: {  	[sflag:s7] =	ssyncset.done $0x0  }
0x1ad: {  	s23 =	sadd.s32 s21, s9;
	[sflag:s7] =	ssyncadd.s32 $0xFFFFA000  }
0x1ae: {  	[hbm4b:s23+s3] =	stream.linear.scatter [tilespmem:s19], [sflag:$0xA], $0x6000, $0x38;
	[tilespmem:$0x1FC00] =	vst v63  }
0x1af: {  	_ =	swait.ge [sflag:s13], $0x6000  }
0x1b0: {  	[sflag:s13] =	ssyncset.done $0x0  }
0x1b1: {  	[sflag:s13] =	ssyncadd.s32 $0xFFFFA000  }
0x1b2: {  	v3 =	vld [tilespmem:s14+$0x180];
	_ =	sdelay $0x4  }
0x1b3: {  	v4 =	vshrl.u32 v3, $0x3  }
0x1b4: {  	v4 =	vmul.u32 $0x30, v4  }
0x1b5: {  	v3 =	vand.u32 $0x7, v3  }
0x1b6: {  	v3 =	vor.u32 v3, v4  }
0x1b7: {  	v4 =	vperm.xlane v3, v0;
	_ =	sdelay $0x1  }
0x1b8: {  	v4 =	vadd.s32 v1, v4;
	_ =	sdelay $0x3  }
0x1b9: {  	v3 =	vperm.xlane v3, v2  }
0x1ba: {  	[tilespmem:s20], [sflag:$0x3] =	stream.indirect_vreg.gather [hbm4b:s1+s3], $0x80, v4, vm0, $0xb8;
	[tilespmem:$0x1FC00] =	vst v63  }
0x1bb: {  	s22 =	simm.s32 $0xE400;
	v3 =	vadd.s32 v1, v3  }
0x1bc: {  	[tilespmem:s22], [sflag:$0x3] =	stream.indirect_vreg.gather [hbm4b:s5+s3], $0x80, v4, vm0, $0xb8;
	[tilespmem:$0x1FC00] =	vst v63  }
0x1bd: {  	s23 =	simm.s32 $0xEC00  }
0x1be: {  	[tilespmem:s23], [sflag:$0x3] =	stream.indirect_vreg.gather [hbm4b:s6+s3], $0x80, v4, vm0, $0xb8;
	[tilespmem:$0x1FC00] =	vst v63  }
0x1bf: {  	s23 =	simm.s32 $0xF400  }
0x1c0: {  	[tilespmem:s23], [sflag:$0x3] =	stream.indirect_vreg.gather [hbm4b:s1+s3], $0x80, v3, vm0, $0xb8;
	[tilespmem:$0x1FC00] =	vst v63  }
0x1c1: {  	_ = 	snop  }
0x1c2: {  	[tilespmem:s24], [sflag:$0x3] =	stream.indirect_vreg.gather [hbm4b:s5+s3], $0x80, v3, vm0, $0xb8;
	[tilespmem:$0x1FC00] =	vst v63  }
0x1c3: {  	_ = 	snop  }
0x1c4: {  	[tilespmem:s25], [sflag:$0x3] =	stream.indirect_vreg.gather [hbm4b:s6+s3], $0x80, v3, vm0, $0xb8;
	[tilespmem:$0x1FC00] =	vst v63  }
0x1c5: {  	v3 =	vld [tilespmem:s14+$0x190];
	_ =	sdelay $0x4  }
0x1c6: {  	v63 =	vshrl.u32 v3, $0x3  }
0x1c7: {  	v4 =	vmul.u32 $0x30, v63  }
0x1c8: {  	v3 =	vand.u32 $0x7, v3  }
0x1c9: {  	v3 =	vor.u32 v3, v4  }
0x1ca: {  	v4 =	vperm.xlane v3, v0;
	_ =	sdelay $0x1  }
0x1cb: {  	v4 =	vadd.s32 v1, v4;
	_ =	sdelay $0x3  }
0x1cc: {  	v3 =	vperm.xlane v3, v2  }
0x1cd: {  	[tilespmem:s28], [sflag:$0x3] =	stream.indirect_vreg.gather [hbm4b:s1+s3], $0x80, v4, vm0, $0xb8;
	[tilespmem:$0x1FC00] =	vst v63  }
0x1ce: {  	v3 =	vadd.s32 v1, v3  }
0x1cf: {  	[tilespmem:s29], [sflag:$0x3] =	stream.indirect_vreg.gather [hbm4b:s5+s3], $0x80, v4, vm0, $0xb8;
	[tilespmem:$0x1FC00] =	vst v63  }
0x1d0: {  	_ = 	snop  }
0x1d1: {  	[tilespmem:s30], [sflag:$0x3] =	stream.indirect_vreg.gather [hbm4b:s6+s3], $0x80, v4, vm0, $0xb8;
	[tilespmem:$0x1FC00] =	vst v63  }
0x1d2: {  	_ = 	snop  }
0x1d3: {  	[tilespmem:s31], [sflag:$0x3] =	stream.indirect_vreg.gather [hbm4b:s1+s3], $0x80, v3, vm0, $0xb8;
	[tilespmem:$0x1FC00] =	vst v63  }
.Ltmp3:
0x1d4: {  	_ = 	snop;
	(pc) =	sbr.rel .LBB2_2-.Ltmp3, $4  }
0x1d5: {  	_ = 	snop  }
0x1d6: {  	[tilespmem:s0], [sflag:$0x3] =	stream.indirect_vreg.gather [hbm4b:s5+s3], $0x80, v3, vm0, $0xb8;
	[tilespmem:$0x1FC00] =	vst v63  }
0x1d7: {  	s21 =	sadd.s32 $0x3C00, s21;
	s14 =	sadd.s32 $0x280, s14  }
0x1d8: {  	[tilespmem:s2], [sflag:$0x3] =	stream.indirect_vreg.gather [hbm4b:s6+s3], $0x80, v3, vm0, $0xb8;
	[tilespmem:$0x1FC00] =	vst v63  }
.LBB2_5:
0x1d9: {  	_ =	sfence.sel $0x180000  }
0x1da: {  	[bflag:$0x0] =	sbarrier.arrive $0xFFFF  }
0x1db: {  	_ =	strace $0x90000047  }
0x1dc: {  	s0 =	stileid.u32;
	[bflag:$0x2] =	sbarrier.arrive $0xFFFF  }
0x1dd: {  	p0 =	sne.s32 s0, $0x0;
	s0 =	rddreg [dreg:$0x3]  }
0x1de: {  	s0 =	sadd.s32 @!p0 $0x100000, s0  }
0x1df: {  	[sflag:s0] =	ssyncadd.tile.s32 @!p0 $0x1;
	_ =	shalt  }
.Lfunc_end2:
_tile_overlayer_lowered:
.L_overlay_start_2:
0x1e0: {  	(tag) =	ssettag $0x2  }
0x1e1: {  	s0 =	rddreg [dreg:$0x0];
	s2 =	stileid.u32  }
0x1e2: {  	s1 =	rddreg [dreg:$0x1];
	p0 =	sne.s32 s2, $0x0  }
0x1e3: {  	s3 =	rddreg [dreg:$0x2];
	[bflag:$0x3] =	sbarrier.arrive $0xFFFF;
	s2 =	simm.s32 @!p0 $0x1C0B  }
0x1e4: {  	[timem:s3], [sflag:s2] =	dma.local @!p0 [hbm:s0], s1  }
0x1e5: {  	s0 =	simm.s32 @!p0 $0xB  }
0x1e6: {  	_ =	swait.ge @!p0 [sflag:s0], s1  }
0x1e7: {  	s1 =	ssub.s32 @!p0 $0x0, s1;
	[sflag:s0] =	ssyncset.done @!p0 $0x0  }
0x1e8: {  	[sflag:s0] =	ssyncadd.s32 @!p0 s1  }
0x1e9: {  	[bflag:$0x3] =	sbarrier.arrive $0xFFFF  }
0x1ea: {  	_ =	shalt  }

</sc_bundles>
